<compile_context>
chip_gen: v7x
topology: tpu7x:2x2x1
jax: 0.10.2.dev20260603
libtpu: 0.0.44.dev20260713+nightly
codegen_flags: <defaults>
</compile_context>

<pallas_src>
import functools

import jax
import jax.numpy as jnp
from jax import lax
from jax.experimental import pallas as pl
from jax.experimental.pallas import tpu as pltpu, tpu_sc as plsc

VOCAB = 1000000
DIM = 64
NB, NTOK = 4096, 200

NC, NS = 2, 16
NW = NC * NS
NBLK = 8
BW = NB // NBLK
NSG = NW // NBLK
SW = NTOK // NSG
SEG = 128
NQ = BW // SEG
RTP = BW + 8


def _body(xt_hbm, table_hbm, out_hbm, xv, rows0, rows1, rt, gsem0, gsem1):
    w = lax.axis_index("s") * NC + lax.axis_index("c")
    b0 = (w % NBLK) * BW
    s_base = (w // NBLK) * SW

    for q in range(NQ):
        pltpu.sync_copy(
            xt_hbm.at[pl.ds(s_base, SW), pl.ds(b0 + SEG * q, SEG)],
            xv.at[pl.ds(SW * q, SW)],
        )

    rows = (rows0, rows1)
    gsem = (gsem0, gsem1)

    iota16 = lax.iota(jnp.int32, 16)

    def fire(si, buf):
        for q in range(NQ):
            pltpu.async_copy(
                table_hbm.at[xv.at[SW * q + si]],
                rows[buf].at[pl.ds(SEG * q, SEG)],
                gsem[buf],
            )

    def drain(si, buf):
        for q in range(NQ):
            pltpu.make_async_copy(
                table_hbm.at[xv.at[SW * q + si]],
                rows[buf].at[pl.ds(SEG * q, SEG)],
                gsem[buf],
            ).wait()

    def transpose(buf):
        @plsc.parallel_loop(0, BW, step=1, unroll=8)
        def _(j):
            jv = jnp.full((16,), j, jnp.int32)
            for k2 in range(DIM // 16):
                v = rows[buf][j, pl.ds(16 * k2, 16)]
                plsc.store_scatter(rt, [iota16 + 16 * k2, jv], v)

    fire(0, 0)

    @pl.loop(0, SW, step=2)
    def _(s0):
        for b in range(2):
            si = s0 + b
            drain(si, b)

            @pl.when(si + 1 < SW)
            def _():
                fire(si + 1, 1 - b)

            transpose(b)
            pltpu.sync_copy(
                rt.at[:, pl.ds(0, BW)],
                out_hbm.at[pl.ds((s_base + si) * DIM, DIM), pl.ds(b0, BW)],
            )


@jax.jit
def _lookup(x_t, table_lin):
    mesh = plsc.VectorSubcoreMesh(core_axis_name="c", subcore_axis_name="s")
    k = pl.kernel(
        _body,
        out_type=jax.ShapeDtypeStruct((NTOK * DIM, NB), jnp.float32),
        mesh=mesh,
        scratch_types=[
            pltpu.VMEM((NTOK, SEG), jnp.int32),
            pltpu.VMEM((BW, DIM), jnp.float32),
            pltpu.VMEM((BW, DIM), jnp.float32),
            pltpu.VMEM((DIM, RTP), jnp.float32),
            pltpu.SemaphoreType.DMA,
            pltpu.SemaphoreType.DMA,
        ],
        compiler_params=pltpu.CompilerParams(
            use_tc_tiling_on_sc=False, needs_layout_passes=False
        ),
    )
    return k(x_t, table_lin)


def kernel(x, table):
    x_t = jnp.transpose(x).astype(jnp.int32)
    t_pair = jax.lax.optimization_barrier(jnp.reshape(table, (VOCAB // 2, 2 * DIM)))
    t_lin = jnp.reshape(t_pair, (VOCAB, DIM))
    out2 = _lookup(x_t, t_lin)
    out_t = jnp.reshape(out2, (NTOK, DIM, NB))
    return jnp.transpose(out_t, (2, 0, 1))

# --- scband reference (transcript-rebuilt; emitter-appended) ---
"""Pipeline reference for scband-embedding-11811160064515 (READ-ONLY COPY).

The authoritative reference and input builder live on the scoring server;
editing this copy changes nothing except your own understanding.
"""

import jax, jax.numpy as jnp
import numpy as np

VOCAB = 1000000
DIM = 64
PAD_IDX = VOCAB - 1

def setup_inputs(seed: int = 0) -> dict:
    key = jax.random.key(seed)
    k1, k2 = jax.random.split(key)
    x = jax.random.randint(k1, (4096, 200), 0, VOCAB)
    table = jax.random.normal(k2, (VOCAB, DIM), dtype=jnp.float32)
    # padding_idx row initialized to zeros, matching nn.Embedding semantics
    table = table.at[PAD_IDX].set(0.0)
    return {"x": x, "table": table}

def reference(x, table):
    # nn.Embedding with padding_idx: output for padding index is the (zero) row;
    # forward is a plain row gather.
    return jnp.take(table, x, axis=0)

if __name__ == "__main__":
    import jax
    _d = setup_inputs()
    print(jax.jit(kernel)(*tuple(_d.values())))

</pallas_src>

<mosaic_0001>
#map = affine_map<(d0, d1) -> (0, 0)>
module attributes {stable_mosaic.version = 14 : i64} {
  func.func @_body(%arg0: i32, %arg1: i32, %arg2: memref<200x4096xi32, #tpu.memory_space<hbm>>, %arg3: memref<1000000x64xf32, #tpu.memory_space<hbm>>, %arg4: memref<12800x4096xf32, #tpu.memory_space<hbm>>, %arg5: memref<200x128xi32, #tpu.memory_space<vmem>>, %arg6: memref<512x64xf32, #tpu.memory_space<vmem>>, %arg7: memref<512x64xf32, #tpu.memory_space<vmem>>, %arg8: memref<64x520xf32, #tpu.memory_space<vmem>>, %arg9: memref<!tpu.dma_semaphore, #tpu.memory_space<semaphore_mem>>, %arg10: memref<!tpu.dma_semaphore, #tpu.memory_space<semaphore_mem>>) attributes {dimension_semantics = [#tpu.dimension_semantics<core_parallel>, #tpu.dimension_semantics<subcore_parallel>], iteration_bounds = array<i64: 2, 16>, scalar_prefetch = 0 : i64, scratch_operands = 6 : i64, tpu.core_type = #tpu.core_type<sc_vector_subcore>, window_params = [{transform_indices = #map}, {transform_indices = #map}, {transform_indices = #map}]} {
    %mul3A = arith.constant 2 : i32
    %mul3A_0 = arith.muli %arg1, %mul3A : i32
    %add3A = arith.addi %mul3A_0, %arg0 : i32
    %jit3A = arith.constant 8 : i32
    %eq3A = arith.constant 0 : i32
    %eq3A_1 = arith.cmpi eq, %jit3A, %eq3A : i32
    %jit3A_2 = arith.constant 1 : i32
    %select_n3A = arith.select %eq3A_1, %jit3A_2, %jit3A : i32
    %rem3A = arith.remsi %add3A, %select_n3A : i32
    %ne3A = arith.constant 0 : i32
    %ne3A_3 = arith.cmpi ne, %rem3A, %ne3A : i32
    %lt3A = arith.constant 0 : i32
    %lt3A_4 = arith.cmpi slt, %rem3A, %lt3A : i32
    %lt3A_5 = arith.constant 0 : i32
    %lt3A_6 = arith.cmpi slt, %select_n3A, %lt3A_5 : i32
    %ne3A_7 = arith.xori %lt3A_4, %lt3A_6 : i1
    %and3A = arith.andi %ne3A_7, %ne3A_3 : i1
    %add3A_8 = arith.addi %rem3A, %select_n3A : i32
    %select_n3A_9 = arith.select %and3A, %add3A_8, %rem3A : i32
    %mul3A_10 = arith.constant 512 : i32
    %mul3A_11 = arith.muli %select_n3A_9, %mul3A_10 : i32
    %jit3A_12 = arith.constant 8 : i32
    %div3A = arith.divsi %add3A, %jit3A_12 : i32
    %sign3A = arith.constant 0 : i32
    %sign3A_13 = arith.cmpi sgt, %add3A, %sign3A : i32
    %sign3A_14 = arith.extui %sign3A_13 : i1 to i32
    %sign3A_15 = arith.constant 0 : i32
    %sign3A_16 = arith.cmpi slt, %add3A, %sign3A_15 : i32
    %sign3A_17 = arith.extui %sign3A_16 : i1 to i32
    %sign3A_18 = arith.subi %sign3A_14, %sign3A_17 : i32
    %sign3A_19 = arith.constant 0 : i32
    %sign3A_20 = arith.cmpi sgt, %jit3A_12, %sign3A_19 : i32
    %sign3A_21 = arith.extui %sign3A_20 : i1 to i32
    %sign3A_22 = arith.constant 0 : i32
    %sign3A_23 = arith.cmpi slt, %jit3A_12, %sign3A_22 : i32
    %sign3A_24 = arith.extui %sign3A_23 : i1 to i32
    %sign3A_25 = arith.subi %sign3A_21, %sign3A_24 : i32
    %ne3A_26 = arith.cmpi ne, %sign3A_18, %sign3A_25 : i32
    %rem3A_27 = arith.remsi %add3A, %jit3A_12 : i32
    %ne3A_28 = arith.constant 0 : i32
    %ne3A_29 = arith.cmpi ne, %rem3A_27, %ne3A_28 : i32
    %and3A_30 = arith.andi %ne3A_26, %ne3A_29 : i1
    %sub3A = arith.constant 1 : i32
    %sub3A_31 = arith.subi %div3A, %sub3A : i32
    %select_n3A_32 = arith.select %and3A_30, %sub3A_31, %div3A : i32
    %mul3A_33 = arith.constant 50 : i32
    %mul3A_34 = arith.muli %select_n3A_32, %mul3A_33 : i32
    %add3A_35 = arith.constant 0 : i32
    %add3A_36 = arith.addi %mul3A_11, %add3A_35 : i32
    "tpu.region"() ({
      %run_scoped3A = tpu.sem_alloc : memref<!tpu.dma_semaphore, #tpu.memory_space<semaphore_mem>>
      %dma_start3A_86 = arith.constant 0 : i32
      %dma_start3A_87 = arith.constant 0 : i32
      %dma_start3A_88 = tpu.memref_slice %arg5[%dma_start3A_86, %dma_start3A_87] : memref<200x128xi32, #tpu.memory_space<vmem>> -> memref<50x128xi32, #tpu.memory_space<vmem>>
      %dma_start3A_89 = tpu.memref_slice %arg2[%mul3A_34, %add3A_36] : memref<200x4096xi32, #tpu.memory_space<hbm>> -> memref<50x128xi32, #tpu.memory_space<hbm>>
      %dma_start3A_90 = arith.constant 0 : i32
      %dma_start3A_91 = arith.constant 0 : i32
      %dma_start3A_92 = tpu.memref_slice %arg5[%dma_start3A_90, %dma_start3A_91] : memref<200x128xi32, #tpu.memory_space<vmem>> -> memref<50x128xi32, #tpu.memory_space<vmem>>
      %dma_start3A_93 = tpu.memref_slice %arg2[%mul3A_34, %add3A_36] : memref<200x4096xi32, #tpu.memory_space<hbm>> -> memref<50x128xi32, #tpu.memory_space<hbm>>
      tpu.enqueue_dma source(%dma_start3A_93 : memref<50x128xi32, #tpu.memory_space<hbm>>) target(%dma_start3A_92 : memref<50x128xi32, #tpu.memory_space<vmem>>) target_semaphore(%run_scoped3A : memref<!tpu.dma_semaphore, #tpu.memory_space<semaphore_mem>>)
      %dma_wait3A = arith.constant 0 : i32
      %dma_wait3A_94 = arith.constant 0 : i32
      %dma_wait3A_95 = tpu.memref_slice %arg5[%dma_wait3A, %dma_wait3A_94] : memref<200x128xi32, #tpu.memory_space<vmem>> -> memref<50x128xi32, #tpu.memory_space<vmem>>
      %dma_wait3A_96 = tpu.memref_slice %arg2[%mul3A_34, %add3A_36] : memref<200x4096xi32, #tpu.memory_space<hbm>> -> memref<50x128xi32, #tpu.memory_space<hbm>>
      %dma_wait3A_97 = arith.constant 0 : i32
      %dma_wait3A_98 = arith.constant 0 : i32
      %dma_wait3A_99 = tpu.memref_slice %arg5[%dma_wait3A_97, %dma_wait3A_98] : memref<200x128xi32, #tpu.memory_space<vmem>> -> memref<50x128xi32, #tpu.memory_space<vmem>>
      %dma_wait3A_100 = tpu.memref_slice %arg2[%mul3A_34, %add3A_36] : memref<200x4096xi32, #tpu.memory_space<hbm>> -> memref<50x128xi32, #tpu.memory_space<hbm>>
      tpu.wait_dma2 semaphore(%run_scoped3A : memref<!tpu.dma_semaphore, #tpu.memory_space<semaphore_mem>>) src(%dma_wait3A_100 : memref<50x128xi32, #tpu.memory_space<hbm>>) dst(%dma_wait3A_99 : memref<50x128xi32, #tpu.memory_space<vmem>>)
      tpu.yield
    }) : () -> ()
    %add3A_37 = arith.constant 128 : i32
    %add3A_38 = arith.addi %mul3A_11, %add3A_37 : i32
    "tpu.region"() ({
      %run_scoped3A = tpu.sem_alloc : memref<!tpu.dma_semaphore, #tpu.memory_space<semaphore_mem>>
      %dma_start3A_86 = arith.constant 50 : i32
      %dma_start3A_87 = arith.constant 0 : i32
      %dma_start3A_88 = tpu.memref_slice %arg5[%dma_start3A_86, %dma_start3A_87] : memref<200x128xi32, #tpu.memory_space<vmem>> -> memref<50x128xi32, #tpu.memory_space<vmem>>
      %dma_start3A_89 = tpu.memref_slice %arg2[%mul3A_34, %add3A_38] : memref<200x4096xi32, #tpu.memory_space<hbm>> -> memref<50x128xi32, #tpu.memory_space<hbm>>
      %dma_start3A_90 = arith.constant 50 : i32
      %dma_start3A_91 = arith.constant 0 : i32
      %dma_start3A_92 = tpu.memref_slice %arg5[%dma_start3A_90, %dma_start3A_91] : memref<200x128xi32, #tpu.memory_space<vmem>> -> memref<50x128xi32, #tpu.memory_space<vmem>>
      %dma_start3A_93 = tpu.memref_slice %arg2[%mul3A_34, %add3A_38] : memref<200x4096xi32, #tpu.memory_space<hbm>> -> memref<50x128xi32, #tpu.memory_space<hbm>>
      tpu.enqueue_dma source(%dma_start3A_93 : memref<50x128xi32, #tpu.memory_space<hbm>>) target(%dma_start3A_92 : memref<50x128xi32, #tpu.memory_space<vmem>>) target_semaphore(%run_scoped3A : memref<!tpu.dma_semaphore, #tpu.memory_space<semaphore_mem>>)
      %dma_wait3A = arith.constant 50 : i32
      %dma_wait3A_94 = arith.constant 0 : i32
      %dma_wait3A_95 = tpu.memref_slice %arg5[%dma_wait3A, %dma_wait3A_94] : memref<200x128xi32, #tpu.memory_space<vmem>> -> memref<50x128xi32, #tpu.memory_space<vmem>>
      %dma_wait3A_96 = tpu.memref_slice %arg2[%mul3A_34, %add3A_38] : memref<200x4096xi32, #tpu.memory_space<hbm>> -> memref<50x128xi32, #tpu.memory_space<hbm>>
      %dma_wait3A_97 = arith.constant 50 : i32
      %dma_wait3A_98 = arith.constant 0 : i32
      %dma_wait3A_99 = tpu.memref_slice %arg5[%dma_wait3A_97, %dma_wait3A_98] : memref<200x128xi32, #tpu.memory_space<vmem>> -> memref<50x128xi32, #tpu.memory_space<vmem>>
      %dma_wait3A_100 = tpu.memref_slice %arg2[%mul3A_34, %add3A_38] : memref<200x4096xi32, #tpu.memory_space<hbm>> -> memref<50x128xi32, #tpu.memory_space<hbm>>
      tpu.wait_dma2 semaphore(%run_scoped3A : memref<!tpu.dma_semaphore, #tpu.memory_space<semaphore_mem>>) src(%dma_wait3A_100 : memref<50x128xi32, #tpu.memory_space<hbm>>) dst(%dma_wait3A_99 : memref<50x128xi32, #tpu.memory_space<vmem>>)
      tpu.yield
    }) : () -> ()
    %add3A_39 = arith.constant 256 : i32
    %add3A_40 = arith.addi %mul3A_11, %add3A_39 : i32
    "tpu.region"() ({
      %run_scoped3A = tpu.sem_alloc : memref<!tpu.dma_semaphore, #tpu.memory_space<semaphore_mem>>
      %dma_start3A_86 = arith.constant 100 : i32
      %dma_start3A_87 = arith.constant 0 : i32
      %dma_start3A_88 = tpu.memref_slice %arg5[%dma_start3A_86, %dma_start3A_87] : memref<200x128xi32, #tpu.memory_space<vmem>> -> memref<50x128xi32, #tpu.memory_space<vmem>>
      %dma_start3A_89 = tpu.memref_slice %arg2[%mul3A_34, %add3A_40] : memref<200x4096xi32, #tpu.memory_space<hbm>> -> memref<50x128xi32, #tpu.memory_space<hbm>>
      %dma_start3A_90 = arith.constant 100 : i32
      %dma_start3A_91 = arith.constant 0 : i32
      %dma_start3A_92 = tpu.memref_slice %arg5[%dma_start3A_90, %dma_start3A_91] : memref<200x128xi32, #tpu.memory_space<vmem>> -> memref<50x128xi32, #tpu.memory_space<vmem>>
      %dma_start3A_93 = tpu.memref_slice %arg2[%mul3A_34, %add3A_40] : memref<200x4096xi32, #tpu.memory_space<hbm>> -> memref<50x128xi32, #tpu.memory_space<hbm>>
      tpu.enqueue_dma source(%dma_start3A_93 : memref<50x128xi32, #tpu.memory_space<hbm>>) target(%dma_start3A_92 : memref<50x128xi32, #tpu.memory_space<vmem>>) target_semaphore(%run_scoped3A : memref<!tpu.dma_semaphore, #tpu.memory_space<semaphore_mem>>)
      %dma_wait3A = arith.constant 100 : i32
      %dma_wait3A_94 = arith.constant 0 : i32
      %dma_wait3A_95 = tpu.memref_slice %arg5[%dma_wait3A, %dma_wait3A_94] : memref<200x128xi32, #tpu.memory_space<vmem>> -> memref<50x128xi32, #tpu.memory_space<vmem>>
      %dma_wait3A_96 = tpu.memref_slice %arg2[%mul3A_34, %add3A_40] : memref<200x4096xi32, #tpu.memory_space<hbm>> -> memref<50x128xi32, #tpu.memory_space<hbm>>
      %dma_wait3A_97 = arith.constant 100 : i32
      %dma_wait3A_98 = arith.constant 0 : i32
      %dma_wait3A_99 = tpu.memref_slice %arg5[%dma_wait3A_97, %dma_wait3A_98] : memref<200x128xi32, #tpu.memory_space<vmem>> -> memref<50x128xi32, #tpu.memory_space<vmem>>
      %dma_wait3A_100 = tpu.memref_slice %arg2[%mul3A_34, %add3A_40] : memref<200x4096xi32, #tpu.memory_space<hbm>> -> memref<50x128xi32, #tpu.memory_space<hbm>>
      tpu.wait_dma2 semaphore(%run_scoped3A : memref<!tpu.dma_semaphore, #tpu.memory_space<semaphore_mem>>) src(%dma_wait3A_100 : memref<50x128xi32, #tpu.memory_space<hbm>>) dst(%dma_wait3A_99 : memref<50x128xi32, #tpu.memory_space<vmem>>)
      tpu.yield
    }) : () -> ()
    %add3A_41 = arith.constant 384 : i32
    %add3A_42 = arith.addi %mul3A_11, %add3A_41 : i32
    "tpu.region"() ({
      %run_scoped3A = tpu.sem_alloc : memref<!tpu.dma_semaphore, #tpu.memory_space<semaphore_mem>>
      %dma_start3A_86 = arith.constant 150 : i32
      %dma_start3A_87 = arith.constant 0 : i32
      %dma_start3A_88 = tpu.memref_slice %arg5[%dma_start3A_86, %dma_start3A_87] : memref<200x128xi32, #tpu.memory_space<vmem>> -> memref<50x128xi32, #tpu.memory_space<vmem>>
      %dma_start3A_89 = tpu.memref_slice %arg2[%mul3A_34, %add3A_42] : memref<200x4096xi32, #tpu.memory_space<hbm>> -> memref<50x128xi32, #tpu.memory_space<hbm>>
      %dma_start3A_90 = arith.constant 150 : i32
      %dma_start3A_91 = arith.constant 0 : i32
      %dma_start3A_92 = tpu.memref_slice %arg5[%dma_start3A_90, %dma_start3A_91] : memref<200x128xi32, #tpu.memory_space<vmem>> -> memref<50x128xi32, #tpu.memory_space<vmem>>
      %dma_start3A_93 = tpu.memref_slice %arg2[%mul3A_34, %add3A_42] : memref<200x4096xi32, #tpu.memory_space<hbm>> -> memref<50x128xi32, #tpu.memory_space<hbm>>
      tpu.enqueue_dma source(%dma_start3A_93 : memref<50x128xi32, #tpu.memory_space<hbm>>) target(%dma_start3A_92 : memref<50x128xi32, #tpu.memory_space<vmem>>) target_semaphore(%run_scoped3A : memref<!tpu.dma_semaphore, #tpu.memory_space<semaphore_mem>>)
      %dma_wait3A = arith.constant 150 : i32
      %dma_wait3A_94 = arith.constant 0 : i32
      %dma_wait3A_95 = tpu.memref_slice %arg5[%dma_wait3A, %dma_wait3A_94] : memref<200x128xi32, #tpu.memory_space<vmem>> -> memref<50x128xi32, #tpu.memory_space<vmem>>
      %dma_wait3A_96 = tpu.memref_slice %arg2[%mul3A_34, %add3A_42] : memref<200x4096xi32, #tpu.memory_space<hbm>> -> memref<50x128xi32, #tpu.memory_space<hbm>>
      %dma_wait3A_97 = arith.constant 150 : i32
      %dma_wait3A_98 = arith.constant 0 : i32
      %dma_wait3A_99 = tpu.memref_slice %arg5[%dma_wait3A_97, %dma_wait3A_98] : memref<200x128xi32, #tpu.memory_space<vmem>> -> memref<50x128xi32, #tpu.memory_space<vmem>>
      %dma_wait3A_100 = tpu.memref_slice %arg2[%mul3A_34, %add3A_42] : memref<200x4096xi32, #tpu.memory_space<hbm>> -> memref<50x128xi32, #tpu.memory_space<hbm>>
      tpu.wait_dma2 semaphore(%run_scoped3A : memref<!tpu.dma_semaphore, #tpu.memory_space<semaphore_mem>>) src(%dma_wait3A_100 : memref<50x128xi32, #tpu.memory_space<hbm>>) dst(%dma_wait3A_99 : memref<50x128xi32, #tpu.memory_space<vmem>>)
      tpu.yield
    }) : () -> ()
    %iota3A = tpu.iota {dimensions = array<i32: 0>} : vector<16xi32>
    %dma_start3A = arith.constant 0 : i32
    %dma_start3A_43 = arith.constant 0 : i32
    %dma_start3A_44 = arith.constant 0 : i32
    %dma_start3A_45 = tpu.memref_slice %arg6[%dma_start3A_43, %dma_start3A_44] : memref<512x64xf32, #tpu.memory_space<vmem>> -> memref<128x64xf32, #tpu.memory_space<vmem>>
    %dma_start3A_46 = arith.constant 0 : i32
    %dma_start3A_47 = tpu.memref_slice %arg5[%dma_start3A, %dma_start3A_46] : memref<200x128xi32, #tpu.memory_space<vmem>> -> memref<1x128xi32, #tpu.memory_space<vmem>>
    %dma_start3A_48 = tpu.memref_squeeze %dma_start3A_47 : memref<1x128xi32, #tpu.memory_space<vmem>> -> memref<128xi32, #tpu.memory_space<vmem>>
    %dma_start3A_49 = arith.constant 0 : i32
    %dma_start3A_50 = arith.constant 0 : i32
    %dma_start3A_51 = tpu.memref_slice %arg3[%dma_start3A_49, %dma_start3A_50] : memref<1000000x64xf32, #tpu.memory_space<hbm>> -> memref<1000000x64xf32, #tpu.memory_space<hbm>>
    tpu.enqueue_indirect_dma source(%dma_start3A_51 : memref<1000000x64xf32, #tpu.memory_space<hbm>>) target(%dma_start3A_45 : memref<128x64xf32, #tpu.memory_space<vmem>>) offsets(%dma_start3A_48 : memref<128xi32, #tpu.memory_space<vmem>>) semaphore(%arg9 : memref<!tpu.dma_semaphore, #tpu.memory_space<semaphore_mem>>)
    %dma_start3A_52 = arith.constant 50 : i32
    %dma_start3A_53 = arith.constant 128 : i32
    %dma_start3A_54 = arith.constant 0 : i32
    %dma_start3A_55 = tpu.memref_slice %arg6[%dma_start3A_53, %dma_start3A_54] : memref<512x64xf32, #tpu.memory_space<vmem>> -> memref<128x64xf32, #tpu.memory_space<vmem>>
    %dma_start3A_56 = arith.constant 0 : i32
    %dma_start3A_57 = tpu.memref_slice %arg5[%dma_start3A_52, %dma_start3A_56] : memref<200x128xi32, #tpu.memory_space<vmem>> -> memref<1x128xi32, #tpu.memory_space<vmem>>
    %dma_start3A_58 = tpu.memref_squeeze %dma_start3A_57 : memref<1x128xi32, #tpu.memory_space<vmem>> -> memref<128xi32, #tpu.memory_space<vmem>>
    %dma_start3A_59 = arith.constant 0 : i32
    %dma_start3A_60 = arith.constant 0 : i32
    %dma_start3A_61 = tpu.memref_slice %arg3[%dma_start3A_59, %dma_start3A_60] : memref<1000000x64xf32, #tpu.memory_space<hbm>> -> memref<1000000x64xf32, #tpu.memory_space<hbm>>
    tpu.enqueue_indirect_dma source(%dma_start3A_61 : memref<1000000x64xf32, #tpu.memory_space<hbm>>) target(%dma_start3A_55 : memref<128x64xf32, #tpu.memory_space<vmem>>) offsets(%dma_start3A_58 : memref<128xi32, #tpu.memory_space<vmem>>) semaphore(%arg9 : memref<!tpu.dma_semaphore, #tpu.memory_space<semaphore_mem>>)
    %dma_start3A_62 = arith.constant 100 : i32
    %dma_start3A_63 = arith.constant 256 : i32
    %dma_start3A_64 = arith.constant 0 : i32
    %dma_start3A_65 = tpu.memref_slice %arg6[%dma_start3A_63, %dma_start3A_64] : memref<512x64xf32, #tpu.memory_space<vmem>> -> memref<128x64xf32, #tpu.memory_space<vmem>>
    %dma_start3A_66 = arith.constant 0 : i32
    %dma_start3A_67 = tpu.memref_slice %arg5[%dma_start3A_62, %dma_start3A_66] : memref<200x128xi32, #tpu.memory_space<vmem>> -> memref<1x128xi32, #tpu.memory_space<vmem>>
    %dma_start3A_68 = tpu.memref_squeeze %dma_start3A_67 : memref<1x128xi32, #tpu.memory_space<vmem>> -> memref<128xi32, #tpu.memory_space<vmem>>
    %dma_start3A_69 = arith.constant 0 : i32
    %dma_start3A_70 = arith.constant 0 : i32
    %dma_start3A_71 = tpu.memref_slice %arg3[%dma_start3A_69, %dma_start3A_70] : memref<1000000x64xf32, #tpu.memory_space<hbm>> -> memref<1000000x64xf32, #tpu.memory_space<hbm>>
    tpu.enqueue_indirect_dma source(%dma_start3A_71 : memref<1000000x64xf32, #tpu.memory_space<hbm>>) target(%dma_start3A_65 : memref<128x64xf32, #tpu.memory_space<vmem>>) offsets(%dma_start3A_68 : memref<128xi32, #tpu.memory_space<vmem>>) semaphore(%arg9 : memref<!tpu.dma_semaphore, #tpu.memory_space<semaphore_mem>>)
    %dma_start3A_72 = arith.constant 150 : i32
    %dma_start3A_73 = arith.constant 384 : i32
    %dma_start3A_74 = arith.constant 0 : i32
    %dma_start3A_75 = tpu.memref_slice %arg6[%dma_start3A_73, %dma_start3A_74] : memref<512x64xf32, #tpu.memory_space<vmem>> -> memref<128x64xf32, #tpu.memory_space<vmem>>
    %dma_start3A_76 = arith.constant 0 : i32
    %dma_start3A_77 = tpu.memref_slice %arg5[%dma_start3A_72, %dma_start3A_76] : memref<200x128xi32, #tpu.memory_space<vmem>> -> memref<1x128xi32, #tpu.memory_space<vmem>>
    %dma_start3A_78 = tpu.memref_squeeze %dma_start3A_77 : memref<1x128xi32, #tpu.memory_space<vmem>> -> memref<128xi32, #tpu.memory_space<vmem>>
    %dma_start3A_79 = arith.constant 0 : i32
    %dma_start3A_80 = arith.constant 0 : i32
    %dma_start3A_81 = tpu.memref_slice %arg3[%dma_start3A_79, %dma_start3A_80] : memref<1000000x64xf32, #tpu.memory_space<hbm>> -> memref<1000000x64xf32, #tpu.memory_space<hbm>>
    tpu.enqueue_indirect_dma source(%dma_start3A_81 : memref<1000000x64xf32, #tpu.memory_space<hbm>>) target(%dma_start3A_75 : memref<128x64xf32, #tpu.memory_space<vmem>>) offsets(%dma_start3A_78 : memref<128xi32, #tpu.memory_space<vmem>>) semaphore(%arg9 : memref<!tpu.dma_semaphore, #tpu.memory_space<semaphore_mem>>)
    %scan3A = arith.constant 0 : i32
    %scan3A_82 = arith.constant 25 : i32
    %scan3A_83 = arith.addi %scan3A, %scan3A_82 : i32
    %scan3A_84 = arith.constant 1 : i32
    scf.for %scan3A_86 = %scan3A to %scan3A_83 step %scan3A_84  : i32 {
      %mul3A_87 = arith.constant 2 : i32
      %mul3A_88 = arith.muli %scan3A_86, %mul3A_87 : i32
      %add3A_89 = arith.constant 0 : i32
      %add3A_90 = arith.addi %add3A_89, %mul3A_88 : i32
      %add3A_91 = arith.constant 0 : i32
      %add3A_92 = arith.addi %add3A_90, %add3A_91 : i32
      %add3A_93 = arith.constant 0 : i32
      %add3A_94 = arith.addi %add3A_93, %add3A_92 : i32
      %dma_wait3A = arith.constant 0 : i32
      %dma_wait3A_95 = arith.constant 0 : i32
      %dma_wait3A_96 = tpu.memref_slice %arg6[%dma_wait3A, %dma_wait3A_95] : memref<512x64xf32, #tpu.memory_space<vmem>> -> memref<128x64xf32, #tpu.memory_space<vmem>>
      %dma_wait3A_97 = arith.constant 0 : i32
      %dma_wait3A_98 = tpu.memref_slice %arg5[%add3A_94, %dma_wait3A_97] : memref<200x128xi32, #tpu.memory_space<vmem>> -> memref<1x128xi32, #tpu.memory_space<vmem>>
      %dma_wait3A_99 = tpu.memref_squeeze %dma_wait3A_98 : memref<1x128xi32, #tpu.memory_space<vmem>> -> memref<128xi32, #tpu.memory_space<vmem>>
      %dma_wait3A_100 = arith.constant 0 : i32
      %dma_wait3A_101 = arith.constant 0 : i32
      %dma_wait3A_102 = tpu.memref_slice %arg3[%dma_wait3A_100, %dma_wait3A_101] : memref<1000000x64xf32, #tpu.memory_space<hbm>> -> memref<1000000x64xf32, #tpu.memory_space<hbm>>
      tpu.wait_indirect_dma semaphore(%arg9 : memref<!tpu.dma_semaphore, #tpu.memory_space<semaphore_mem>>) src(%dma_wait3A_102 : memref<1000000x64xf32, #tpu.memory_space<hbm>>) dst(%dma_wait3A_96 : memref<128x64xf32, #tpu.memory_space<vmem>>)
      %add3A_103 = arith.constant 50 : i32
      %add3A_104 = arith.addi %add3A_103, %add3A_92 : i32
      %dma_wait3A_105 = arith.constant 128 : i32
      %dma_wait3A_106 = arith.constant 0 : i32
      %dma_wait3A_107 = tpu.memref_slice %arg6[%dma_wait3A_105, %dma_wait3A_106] : memref<512x64xf32, #tpu.memory_space<vmem>> -> memref<128x64xf32, #tpu.memory_space<vmem>>
      %dma_wait3A_108 = arith.constant 0 : i32
      %dma_wait3A_109 = tpu.memref_slice %arg5[%add3A_104, %dma_wait3A_108] : memref<200x128xi32, #tpu.memory_space<vmem>> -> memref<1x128xi32, #tpu.memory_space<vmem>>
      %dma_wait3A_110 = tpu.memref_squeeze %dma_wait3A_109 : memref<1x128xi32, #tpu.memory_space<vmem>> -> memref<128xi32, #tpu.memory_space<vmem>>
      %dma_wait3A_111 = arith.constant 0 : i32
      %dma_wait3A_112 = arith.constant 0 : i32
      %dma_wait3A_113 = tpu.memref_slice %arg3[%dma_wait3A_111, %dma_wait3A_112] : memref<1000000x64xf32, #tpu.memory_space<hbm>> -> memref<1000000x64xf32, #tpu.memory_space<hbm>>
      tpu.wait_indirect_dma semaphore(%arg9 : memref<!tpu.dma_semaphore, #tpu.memory_space<semaphore_mem>>) src(%dma_wait3A_113 : memref<1000000x64xf32, #tpu.memory_space<hbm>>) dst(%dma_wait3A_107 : memref<128x64xf32, #tpu.memory_space<vmem>>)
      %add3A_114 = arith.constant 100 : i32
      %add3A_115 = arith.addi %add3A_114, %add3A_92 : i32
      %dma_wait3A_116 = arith.constant 256 : i32
      %dma_wait3A_117 = arith.constant 0 : i32
      %dma_wait3A_118 = tpu.memref_slice %arg6[%dma_wait3A_116, %dma_wait3A_117] : memref<512x64xf32, #tpu.memory_space<vmem>> -> memref<128x64xf32, #tpu.memory_space<vmem>>
      %dma_wait3A_119 = arith.constant 0 : i32
      %dma_wait3A_120 = tpu.memref_slice %arg5[%add3A_115, %dma_wait3A_119] : memref<200x128xi32, #tpu.memory_space<vmem>> -> memref<1x128xi32, #tpu.memory_space<vmem>>
      %dma_wait3A_121 = tpu.memref_squeeze %dma_wait3A_120 : memref<1x128xi32, #tpu.memory_space<vmem>> -> memref<128xi32, #tpu.memory_space<vmem>>
      %dma_wait3A_122 = arith.constant 0 : i32
      %dma_wait3A_123 = arith.constant 0 : i32
      %dma_wait3A_124 = tpu.memref_slice %arg3[%dma_wait3A_122, %dma_wait3A_123] : memref<1000000x64xf32, #tpu.memory_space<hbm>> -> memref<1000000x64xf32, #tpu.memory_space<hbm>>
      tpu.wait_indirect_dma semaphore(%arg9 : memref<!tpu.dma_semaphore, #tpu.memory_space<semaphore_mem>>) src(%dma_wait3A_124 : memref<1000000x64xf32, #tpu.memory_space<hbm>>) dst(%dma_wait3A_118 : memref<128x64xf32, #tpu.memory_space<vmem>>)
      %add3A_125 = arith.constant 150 : i32
      %add3A_126 = arith.addi %add3A_125, %add3A_92 : i32
      %dma_wait3A_127 = arith.constant 384 : i32
      %dma_wait3A_128 = arith.constant 0 : i32
      %dma_wait3A_129 = tpu.memref_slice %arg6[%dma_wait3A_127, %dma_wait3A_128] : memref<512x64xf32, #tpu.memory_space<vmem>> -> memref<128x64xf32, #tpu.memory_space<vmem>>
      %dma_wait3A_130 = arith.constant 0 : i32
      %dma_wait3A_131 = tpu.memref_slice %arg5[%add3A_126, %dma_wait3A_130] : memref<200x128xi32, #tpu.memory_space<vmem>> -> memref<1x128xi32, #tpu.memory_space<vmem>>
      %dma_wait3A_132 = tpu.memref_squeeze %dma_wait3A_131 : memref<1x128xi32, #tpu.memory_space<vmem>> -> memref<128xi32, #tpu.memory_space<vmem>>
      %dma_wait3A_133 = arith.constant 0 : i32
      %dma_wait3A_134 = arith.constant 0 : i32
      %dma_wait3A_135 = tpu.memref_slice %arg3[%dma_wait3A_133, %dma_wait3A_134] : memref<1000000x64xf32, #tpu.memory_space<hbm>> -> memref<1000000x64xf32, #tpu.memory_space<hbm>>
      tpu.wait_indirect_dma semaphore(%arg9 : memref<!tpu.dma_semaphore, #tpu.memory_space<semaphore_mem>>) src(%dma_wait3A_135 : memref<1000000x64xf32, #tpu.memory_space<hbm>>) dst(%dma_wait3A_129 : memref<128x64xf32, #tpu.memory_space<vmem>>)
      %add3A_136 = arith.constant 1 : i32
      %add3A_137 = arith.addi %add3A_92, %add3A_136 : i32
      %lt3A_138 = arith.constant 50 : i32
      %lt3A_139 = arith.cmpi slt, %add3A_137, %lt3A_138 : i32
      %convert_element_type3A = arith.extui %lt3A_139 : i1 to i32
      %cond3A = arith.constant 0 : i32
      %cond3A_140 = arith.cmpi ne, %convert_element_type3A, %cond3A : i32
      scf.if %cond3A_140 {
        %add3A_205 = arith.constant 1 : i32
        %add3A_206 = arith.addi %add3A_92, %add3A_205 : i32
        %add3A_207 = arith.constant 0 : i32
        %add3A_208 = arith.addi %add3A_207, %add3A_206 : i32
        %dma_start3A_209 = arith.constant 0 : i32
        %dma_start3A_210 = arith.constant 0 : i32
        %dma_start3A_211 = tpu.memref_slice %arg7[%dma_start3A_209, %dma_start3A_210] : memref<512x64xf32, #tpu.memory_space<vmem>> -> memref<128x64xf32, #tpu.memory_space<vmem>>
        %dma_start3A_212 = arith.constant 0 : i32
        %dma_start3A_213 = tpu.memref_slice %arg5[%add3A_208, %dma_start3A_212] : memref<200x128xi32, #tpu.memory_space<vmem>> -> memref<1x128xi32, #tpu.memory_space<vmem>>
        %dma_start3A_214 = tpu.memref_squeeze %dma_start3A_213 : memref<1x128xi32, #tpu.memory_space<vmem>> -> memref<128xi32, #tpu.memory_space<vmem>>
        %dma_start3A_215 = arith.constant 0 : i32
        %dma_start3A_216 = arith.constant 0 : i32
        %dma_start3A_217 = tpu.memref_slice %arg3[%dma_start3A_215, %dma_start3A_216] : memref<1000000x64xf32, #tpu.memory_space<hbm>> -> memref<1000000x64xf32, #tpu.memory_space<hbm>>
        tpu.enqueue_indirect_dma source(%dma_start3A_217 : memref<1000000x64xf32, #tpu.memory_space<hbm>>) target(%dma_start3A_211 : memref<128x64xf32, #tpu.memory_space<vmem>>) offsets(%dma_start3A_214 : memref<128xi32, #tpu.memory_space<vmem>>) semaphore(%arg10 : memref<!tpu.dma_semaphore, #tpu.memory_space<semaphore_mem>>)
        %add3A_218 = arith.constant 50 : i32
        %add3A_219 = arith.addi %add3A_218, %add3A_206 : i32
        %dma_start3A_220 = arith.constant 128 : i32
        %dma_start3A_221 = arith.constant 0 : i32
        %dma_start3A_222 = tpu.memref_slice %arg7[%dma_start3A_220, %dma_start3A_221] : memref<512x64xf32, #tpu.memory_space<vmem>> -> memref<128x64xf32, #tpu.memory_space<vmem>>
        %dma_start3A_223 = arith.constant 0 : i32
        %dma_start3A_224 = tpu.memref_slice %arg5[%add3A_219, %dma_start3A_223] : memref<200x128xi32, #tpu.memory_space<vmem>> -> memref<1x128xi32, #tpu.memory_space<vmem>>
        %dma_start3A_225 = tpu.memref_squeeze %dma_start3A_224 : memref<1x128xi32, #tpu.memory_space<vmem>> -> memref<128xi32, #tpu.memory_space<vmem>>
        %dma_start3A_226 = arith.constant 0 : i32
        %dma_start3A_227 = arith.constant 0 : i32
        %dma_start3A_228 = tpu.memref_slice %arg3[%dma_start3A_226, %dma_start3A_227] : memref<1000000x64xf32, #tpu.memory_space<hbm>> -> memref<1000000x64xf32, #tpu.memory_space<hbm>>
        tpu.enqueue_indirect_dma source(%dma_start3A_228 : memref<1000000x64xf32, #tpu.memory_space<hbm>>) target(%dma_start3A_222 : memref<128x64xf32, #tpu.memory_space<vmem>>) offsets(%dma_start3A_225 : memref<128xi32, #tpu.memory_space<vmem>>) semaphore(%arg10 : memref<!tpu.dma_semaphore, #tpu.memory_space<semaphore_mem>>)
        %add3A_229 = arith.constant 100 : i32
        %add3A_230 = arith.addi %add3A_229, %add3A_206 : i32
        %dma_start3A_231 = arith.constant 256 : i32
        %dma_start3A_232 = arith.constant 0 : i32
        %dma_start3A_233 = tpu.memref_slice %arg7[%dma_start3A_231, %dma_start3A_232] : memref<512x64xf32, #tpu.memory_space<vmem>> -> memref<128x64xf32, #tpu.memory_space<vmem>>
        %dma_start3A_234 = arith.constant 0 : i32
        %dma_start3A_235 = tpu.memref_slice %arg5[%add3A_230, %dma_start3A_234] : memref<200x128xi32, #tpu.memory_space<vmem>> -> memref<1x128xi32, #tpu.memory_space<vmem>>
        %dma_start3A_236 = tpu.memref_squeeze %dma_start3A_235 : memref<1x128xi32, #tpu.memory_space<vmem>> -> memref<128xi32, #tpu.memory_space<vmem>>
        %dma_start3A_237 = arith.constant 0 : i32
        %dma_start3A_238 = arith.constant 0 : i32
        %dma_start3A_239 = tpu.memref_slice %arg3[%dma_start3A_237, %dma_start3A_238] : memref<1000000x64xf32, #tpu.memory_space<hbm>> -> memref<1000000x64xf32, #tpu.memory_space<hbm>>
        tpu.enqueue_indirect_dma source(%dma_start3A_239 : memref<1000000x64xf32, #tpu.memory_space<hbm>>) target(%dma_start3A_233 : memref<128x64xf32, #tpu.memory_space<vmem>>) offsets(%dma_start3A_236 : memref<128xi32, #tpu.memory_space<vmem>>) semaphore(%arg10 : memref<!tpu.dma_semaphore, #tpu.memory_space<semaphore_mem>>)
        %add3A_240 = arith.constant 150 : i32
        %add3A_241 = arith.addi %add3A_240, %add3A_206 : i32
        %dma_start3A_242 = arith.constant 384 : i32
        %dma_start3A_243 = arith.constant 0 : i32
        %dma_start3A_244 = tpu.memref_slice %arg7[%dma_start3A_242, %dma_start3A_243] : memref<512x64xf32, #tpu.memory_space<vmem>> -> memref<128x64xf32, #tpu.memory_space<vmem>>
        %dma_start3A_245 = arith.constant 0 : i32
        %dma_start3A_246 = tpu.memref_slice %arg5[%add3A_241, %dma_start3A_245] : memref<200x128xi32, #tpu.memory_space<vmem>> -> memref<1x128xi32, #tpu.memory_space<vmem>>
        %dma_start3A_247 = tpu.memref_squeeze %dma_start3A_246 : memref<1x128xi32, #tpu.memory_space<vmem>> -> memref<128xi32, #tpu.memory_space<vmem>>
        %dma_start3A_248 = arith.constant 0 : i32
        %dma_start3A_249 = arith.constant 0 : i32
        %dma_start3A_250 = tpu.memref_slice %arg3[%dma_start3A_248, %dma_start3A_249] : memref<1000000x64xf32, #tpu.memory_space<hbm>> -> memref<1000000x64xf32, #tpu.memory_space<hbm>>
        tpu.enqueue_indirect_dma source(%dma_start3A_250 : memref<1000000x64xf32, #tpu.memory_space<hbm>>) target(%dma_start3A_244 : memref<128x64xf32, #tpu.memory_space<vmem>>) offsets(%dma_start3A_247 : memref<128xi32, #tpu.memory_space<vmem>>) semaphore(%arg10 : memref<!tpu.dma_semaphore, #tpu.memory_space<semaphore_mem>>)
      } else {
      }
      %parallel_loop3A = arith.constant 0 : i32
      %parallel_loop3A_141 = arith.constant 512 : i32
      %parallel_loop3A_142 = arith.constant 1 : i32
      scf.for %parallel_loop3A_205 = %parallel_loop3A to %parallel_loop3A_141 step %parallel_loop3A_142  : i32 {
        %parallel_loop3A_206 = vector.broadcast %parallel_loop3A_205 : i32 to vector<16xi32>
        %parallel_loop3A_207 = arith.index_cast %parallel_loop3A_205 : i32 to index
        %parallel_loop3A_208 = arith.constant 0 : index
        %parallel_loop3A_209 = tpu.vector_load %arg6[%parallel_loop3A_207, %parallel_loop3A_208] {strides = array<i32>} : memref<512x64xf32, #tpu.memory_space<vmem>>, vector<16xf32>,
        %parallel_loop3A_210 = arith.constant 0 : i32
        %parallel_loop3A_211 = vector.broadcast %parallel_loop3A_210 : i32 to vector<16xi32>
        %parallel_loop3A_212 = arith.addi %iota3A, %parallel_loop3A_211 : vector<16xi32>
        tpu.vector_store_idx %arg8[%parallel_loop3A_212, %parallel_loop3A_206], %parallel_loop3A_209 : memref<64x520xf32, #tpu.memory_space<vmem>>[vector<16xi32>, vector<16xi32>], vector<16xf32>,
        %parallel_loop3A_213 = arith.index_cast %parallel_loop3A_205 : i32 to index
        %parallel_loop3A_214 = arith.constant 16 : index
        %parallel_loop3A_215 = tpu.vector_load %arg6[%parallel_loop3A_213, %parallel_loop3A_214] {strides = array<i32>} : memref<512x64xf32, #tpu.memory_space<vmem>>, vector<16xf32>,
        %parallel_loop3A_216 = arith.constant 16 : i32
        %parallel_loop3A_217 = vector.broadcast %parallel_loop3A_216 : i32 to vector<16xi32>
        %parallel_loop3A_218 = arith.addi %iota3A, %parallel_loop3A_217 : vector<16xi32>
        tpu.vector_store_idx %arg8[%parallel_loop3A_218, %parallel_loop3A_206], %parallel_loop3A_215 : memref<64x520xf32, #tpu.memory_space<vmem>>[vector<16xi32>, vector<16xi32>], vector<16xf32>,
        %parallel_loop3A_219 = arith.index_cast %parallel_loop3A_205 : i32 to index
        %parallel_loop3A_220 = arith.constant 32 : index
        %parallel_loop3A_221 = tpu.vector_load %arg6[%parallel_loop3A_219, %parallel_loop3A_220] {strides = array<i32>} : memref<512x64xf32, #tpu.memory_space<vmem>>, vector<16xf32>,
        %parallel_loop3A_222 = arith.constant 32 : i32
        %parallel_loop3A_223 = vector.broadcast %parallel_loop3A_222 : i32 to vector<16xi32>
        %parallel_loop3A_224 = arith.addi %iota3A, %parallel_loop3A_223 : vector<16xi32>
        tpu.vector_store_idx %arg8[%parallel_loop3A_224, %parallel_loop3A_206], %parallel_loop3A_221 : memref<64x520xf32, #tpu.memory_space<vmem>>[vector<16xi32>, vector<16xi32>], vector<16xf32>,
        %parallel_loop3A_225 = arith.index_cast %parallel_loop3A_205 : i32 to index
        %parallel_loop3A_226 = arith.constant 48 : index
        %parallel_loop3A_227 = tpu.vector_load %arg6[%parallel_loop3A_225, %parallel_loop3A_226] {strides = array<i32>} : memref<512x64xf32, #tpu.memory_space<vmem>>, vector<16xf32>,
        %parallel_loop3A_228 = arith.constant 48 : i32
        %parallel_loop3A_229 = vector.broadcast %parallel_loop3A_228 : i32 to vector<16xi32>
        %parallel_loop3A_230 = arith.addi %iota3A, %parallel_loop3A_229 : vector<16xi32>
        tpu.vector_store_idx %arg8[%parallel_loop3A_230, %parallel_loop3A_206], %parallel_loop3A_227 : memref<64x520xf32, #tpu.memory_space<vmem>>[vector<16xi32>, vector<16xi32>], vector<16xf32>,
      } {sc.loop_unroll_factor = 8 : i64, sc.parallel_access}
      %add3A_143 = arith.addi %mul3A_34, %add3A_92 : i32
      %mul3A_144 = arith.constant 64 : i32
      %mul3A_145 = arith.muli %add3A_143, %mul3A_144 : i32
      "tpu.region"() ({
        %run_scoped3A = tpu.sem_alloc : memref<!tpu.dma_semaphore, #tpu.memory_space<semaphore_mem>>
        %dma_start3A_205 = arith.constant 0 : i32
        %dma_start3A_206 = arith.constant 0 : i32
        %dma_start3A_207 = tpu.memref_slice %arg8[%dma_start3A_205, %dma_start3A_206] : memref<64x520xf32, #tpu.memory_space<vmem>> -> memref<64x512xf32, #tpu.memory_space<vmem>>
        %dma_start3A_208 = tpu.memref_slice %arg4[%mul3A_145, %mul3A_11] : memref<12800x4096xf32, #tpu.memory_space<hbm>> -> memref<64x512xf32, #tpu.memory_space<hbm>>
        %dma_start3A_209 = tpu.memref_slice %arg4[%mul3A_145, %mul3A_11] : memref<12800x4096xf32, #tpu.memory_space<hbm>> -> memref<64x512xf32, #tpu.memory_space<hbm>>
        %dma_start3A_210 = arith.constant 0 : i32
        %dma_start3A_211 = arith.constant 0 : i32
        %dma_start3A_212 = tpu.memref_slice %arg8[%dma_start3A_210, %dma_start3A_211] : memref<64x520xf32, #tpu.memory_space<vmem>> -> memref<64x512xf32, #tpu.memory_space<vmem>>
        tpu.enqueue_dma source(%dma_start3A_212 : memref<64x512xf32, #tpu.memory_space<vmem>>) target(%dma_start3A_209 : memref<64x512xf32, #tpu.memory_space<hbm>>) target_semaphore(%run_scoped3A : memref<!tpu.dma_semaphore, #tpu.memory_space<semaphore_mem>>)
        %dma_wait3A_213 = arith.constant 0 : i32
        %dma_wait3A_214 = arith.constant 0 : i32
        %dma_wait3A_215 = tpu.memref_slice %arg8[%dma_wait3A_213, %dma_wait3A_214] : memref<64x520xf32, #tpu.memory_space<vmem>> -> memref<64x512xf32, #tpu.memory_space<vmem>>
        %dma_wait3A_216 = tpu.memref_slice %arg4[%mul3A_145, %mul3A_11] : memref<12800x4096xf32, #tpu.memory_space<hbm>> -> memref<64x512xf32, #tpu.memory_space<hbm>>
        %dma_wait3A_217 = tpu.memref_slice %arg4[%mul3A_145, %mul3A_11] : memref<12800x4096xf32, #tpu.memory_space<hbm>> -> memref<64x512xf32, #tpu.memory_space<hbm>>
        %dma_wait3A_218 = arith.constant 0 : i32
        %dma_wait3A_219 = arith.constant 0 : i32
        %dma_wait3A_220 = tpu.memref_slice %arg8[%dma_wait3A_218, %dma_wait3A_219] : memref<64x520xf32, #tpu.memory_space<vmem>> -> memref<64x512xf32, #tpu.memory_space<vmem>>
        tpu.wait_dma2 semaphore(%run_scoped3A : memref<!tpu.dma_semaphore, #tpu.memory_space<semaphore_mem>>) src(%dma_wait3A_220 : memref<64x512xf32, #tpu.memory_space<vmem>>) dst(%dma_wait3A_217 : memref<64x512xf32, #tpu.memory_space<hbm>>)
        tpu.yield
      }) : () -> ()
      %add3A_146 = arith.constant 1 : i32
      %add3A_147 = arith.addi %add3A_90, %add3A_146 : i32
      %add3A_148 = arith.constant 0 : i32
      %add3A_149 = arith.addi %add3A_148, %add3A_147 : i32
      %dma_wait3A_150 = arith.constant 0 : i32
      %dma_wait3A_151 = arith.constant 0 : i32
      %dma_wait3A_152 = tpu.memref_slice %arg7[%dma_wait3A_150, %dma_wait3A_151] : memref<512x64xf32, #tpu.memory_space<vmem>> -> memref<128x64xf32, #tpu.memory_space<vmem>>
      %dma_wait3A_153 = arith.constant 0 : i32
      %dma_wait3A_154 = tpu.memref_slice %arg5[%add3A_149, %dma_wait3A_153] : memref<200x128xi32, #tpu.memory_space<vmem>> -> memref<1x128xi32, #tpu.memory_space<vmem>>
      %dma_wait3A_155 = tpu.memref_squeeze %dma_wait3A_154 : memref<1x128xi32, #tpu.memory_space<vmem>> -> memref<128xi32, #tpu.memory_space<vmem>>
      %dma_wait3A_156 = arith.constant 0 : i32
      %dma_wait3A_157 = arith.constant 0 : i32
      %dma_wait3A_158 = tpu.memref_slice %arg3[%dma_wait3A_156, %dma_wait3A_157] : memref<1000000x64xf32, #tpu.memory_space<hbm>> -> memref<1000000x64xf32, #tpu.memory_space<hbm>>
      tpu.wait_indirect_dma semaphore(%arg10 : memref<!tpu.dma_semaphore, #tpu.memory_space<semaphore_mem>>) src(%dma_wait3A_158 : memref<1000000x64xf32, #tpu.memory_space<hbm>>) dst(%dma_wait3A_152 : memref<128x64xf32, #tpu.memory_space<vmem>>)
      %add3A_159 = arith.constant 50 : i32
      %add3A_160 = arith.addi %add3A_159, %add3A_147 : i32
      %dma_wait3A_161 = arith.constant 128 : i32
      %dma_wait3A_162 = arith.constant 0 : i32
      %dma_wait3A_163 = tpu.memref_slice %arg7[%dma_wait3A_161, %dma_wait3A_162] : memref<512x64xf32, #tpu.memory_space<vmem>> -> memref<128x64xf32, #tpu.memory_space<vmem>>
      %dma_wait3A_164 = arith.constant 0 : i32
      %dma_wait3A_165 = tpu.memref_slice %arg5[%add3A_160, %dma_wait3A_164] : memref<200x128xi32, #tpu.memory_space<vmem>> -> memref<1x128xi32, #tpu.memory_space<vmem>>
      %dma_wait3A_166 = tpu.memref_squeeze %dma_wait3A_165 : memref<1x128xi32, #tpu.memory_space<vmem>> -> memref<128xi32, #tpu.memory_space<vmem>>
      %dma_wait3A_167 = arith.constant 0 : i32
      %dma_wait3A_168 = arith.constant 0 : i32
      %dma_wait3A_169 = tpu.memref_slice %arg3[%dma_wait3A_167, %dma_wait3A_168] : memref<1000000x64xf32, #tpu.memory_space<hbm>> -> memref<1000000x64xf32, #tpu.memory_space<hbm>>
      tpu.wait_indirect_dma semaphore(%arg10 : memref<!tpu.dma_semaphore, #tpu.memory_space<semaphore_mem>>) src(%dma_wait3A_169 : memref<1000000x64xf32, #tpu.memory_space<hbm>>) dst(%dma_wait3A_163 : memref<128x64xf32, #tpu.memory_space<vmem>>)
      %add3A_170 = arith.constant 100 : i32
      %add3A_171 = arith.addi %add3A_170, %add3A_147 : i32
      %dma_wait3A_172 = arith.constant 256 : i32
      %dma_wait3A_173 = arith.constant 0 : i32
      %dma_wait3A_174 = tpu.memref_slice %arg7[%dma_wait3A_172, %dma_wait3A_173] : memref<512x64xf32, #tpu.memory_space<vmem>> -> memref<128x64xf32, #tpu.memory_space<vmem>>
      %dma_wait3A_175 = arith.constant 0 : i32
      %dma_wait3A_176 = tpu.memref_slice %arg5[%add3A_171, %dma_wait3A_175] : memref<200x128xi32, #tpu.memory_space<vmem>> -> memref<1x128xi32, #tpu.memory_space<vmem>>
      %dma_wait3A_177 = tpu.memref_squeeze %dma_wait3A_176 : memref<1x128xi32, #tpu.memory_space<vmem>> -> memref<128xi32, #tpu.memory_space<vmem>>
      %dma_wait3A_178 = arith.constant 0 : i32
      %dma_wait3A_179 = arith.constant 0 : i32
      %dma_wait3A_180 = tpu.memref_slice %arg3[%dma_wait3A_178, %dma_wait3A_179] : memref<1000000x64xf32, #tpu.memory_space<hbm>> -> memref<1000000x64xf32, #tpu.memory_space<hbm>>
      tpu.wait_indirect_dma semaphore(%arg10 : memref<!tpu.dma_semaphore, #tpu.memory_space<semaphore_mem>>) src(%dma_wait3A_180 : memref<1000000x64xf32, #tpu.memory_space<hbm>>) dst(%dma_wait3A_174 : memref<128x64xf32, #tpu.memory_space<vmem>>)
      %add3A_181 = arith.constant 150 : i32
      %add3A_182 = arith.addi %add3A_181, %add3A_147 : i32
      %dma_wait3A_183 = arith.constant 384 : i32
      %dma_wait3A_184 = arith.constant 0 : i32
      %dma_wait3A_185 = tpu.memref_slice %arg7[%dma_wait3A_183, %dma_wait3A_184] : memref<512x64xf32, #tpu.memory_space<vmem>> -> memref<128x64xf32, #tpu.memory_space<vmem>>
      %dma_wait3A_186 = arith.constant 0 : i32
      %dma_wait3A_187 = tpu.memref_slice %arg5[%add3A_182, %dma_wait3A_186] : memref<200x128xi32, #tpu.memory_space<vmem>> -> memref<1x128xi32, #tpu.memory_space<vmem>>
      %dma_wait3A_188 = tpu.memref_squeeze %dma_wait3A_187 : memref<1x128xi32, #tpu.memory_space<vmem>> -> memref<128xi32, #tpu.memory_space<vmem>>
      %dma_wait3A_189 = arith.constant 0 : i32
      %dma_wait3A_190 = arith.constant 0 : i32
      %dma_wait3A_191 = tpu.memref_slice %arg3[%dma_wait3A_189, %dma_wait3A_190] : memref<1000000x64xf32, #tpu.memory_space<hbm>> -> memref<1000000x64xf32, #tpu.memory_space<hbm>>
      tpu.wait_indirect_dma semaphore(%arg10 : memref<!tpu.dma_semaphore, #tpu.memory_space<semaphore_mem>>) src(%dma_wait3A_191 : memref<1000000x64xf32, #tpu.memory_space<hbm>>) dst(%dma_wait3A_185 : memref<128x64xf32, #tpu.memory_space<vmem>>)
      %add3A_192 = arith.constant 1 : i32
      %add3A_193 = arith.addi %add3A_147, %add3A_192 : i32
      %lt3A_194 = arith.constant 50 : i32
      %lt3A_195 = arith.cmpi slt, %add3A_193, %lt3A_194 : i32
      %convert_element_type3A_196 = arith.extui %lt3A_195 : i1 to i32
      %cond3A_197 = arith.constant 0 : i32
      %cond3A_198 = arith.cmpi ne, %convert_element_type3A_196, %cond3A_197 : i32
      scf.if %cond3A_198 {
        %add3A_205 = arith.constant 1 : i32
        %add3A_206 = arith.addi %add3A_147, %add3A_205 : i32
        %add3A_207 = arith.constant 0 : i32
        %add3A_208 = arith.addi %add3A_207, %add3A_206 : i32
        %dma_start3A_209 = arith.constant 0 : i32
        %dma_start3A_210 = arith.constant 0 : i32
        %dma_start3A_211 = tpu.memref_slice %arg6[%dma_start3A_209, %dma_start3A_210] : memref<512x64xf32, #tpu.memory_space<vmem>> -> memref<128x64xf32, #tpu.memory_space<vmem>>
        %dma_start3A_212 = arith.constant 0 : i32
        %dma_start3A_213 = tpu.memref_slice %arg5[%add3A_208, %dma_start3A_212] : memref<200x128xi32, #tpu.memory_space<vmem>> -> memref<1x128xi32, #tpu.memory_space<vmem>>
        %dma_start3A_214 = tpu.memref_squeeze %dma_start3A_213 : memref<1x128xi32, #tpu.memory_space<vmem>> -> memref<128xi32, #tpu.memory_space<vmem>>
        %dma_start3A_215 = arith.constant 0 : i32
        %dma_start3A_216 = arith.constant 0 : i32
        %dma_start3A_217 = tpu.memref_slice %arg3[%dma_start3A_215, %dma_start3A_216] : memref<1000000x64xf32, #tpu.memory_space<hbm>> -> memref<1000000x64xf32, #tpu.memory_space<hbm>>
        tpu.enqueue_indirect_dma source(%dma_start3A_217 : memref<1000000x64xf32, #tpu.memory_space<hbm>>) target(%dma_start3A_211 : memref<128x64xf32, #tpu.memory_space<vmem>>) offsets(%dma_start3A_214 : memref<128xi32, #tpu.memory_space<vmem>>) semaphore(%arg9 : memref<!tpu.dma_semaphore, #tpu.memory_space<semaphore_mem>>)
        %add3A_218 = arith.constant 50 : i32
        %add3A_219 = arith.addi %add3A_218, %add3A_206 : i32
        %dma_start3A_220 = arith.constant 128 : i32
        %dma_start3A_221 = arith.constant 0 : i32
        %dma_start3A_222 = tpu.memref_slice %arg6[%dma_start3A_220, %dma_start3A_221] : memref<512x64xf32, #tpu.memory_space<vmem>> -> memref<128x64xf32, #tpu.memory_space<vmem>>
        %dma_start3A_223 = arith.constant 0 : i32
        %dma_start3A_224 = tpu.memref_slice %arg5[%add3A_219, %dma_start3A_223] : memref<200x128xi32, #tpu.memory_space<vmem>> -> memref<1x128xi32, #tpu.memory_space<vmem>>
        %dma_start3A_225 = tpu.memref_squeeze %dma_start3A_224 : memref<1x128xi32, #tpu.memory_space<vmem>> -> memref<128xi32, #tpu.memory_space<vmem>>
        %dma_start3A_226 = arith.constant 0 : i32
        %dma_start3A_227 = arith.constant 0 : i32
        %dma_start3A_228 = tpu.memref_slice %arg3[%dma_start3A_226, %dma_start3A_227] : memref<1000000x64xf32, #tpu.memory_space<hbm>> -> memref<1000000x64xf32, #tpu.memory_space<hbm>>
        tpu.enqueue_indirect_dma source(%dma_start3A_228 : memref<1000000x64xf32, #tpu.memory_space<hbm>>) target(%dma_start3A_222 : memref<128x64xf32, #tpu.memory_space<vmem>>) offsets(%dma_start3A_225 : memref<128xi32, #tpu.memory_space<vmem>>) semaphore(%arg9 : memref<!tpu.dma_semaphore, #tpu.memory_space<semaphore_mem>>)
        %add3A_229 = arith.constant 100 : i32
        %add3A_230 = arith.addi %add3A_229, %add3A_206 : i32
        %dma_start3A_231 = arith.constant 256 : i32
        %dma_start3A_232 = arith.constant 0 : i32
        %dma_start3A_233 = tpu.memref_slice %arg6[%dma_start3A_231, %dma_start3A_232] : memref<512x64xf32, #tpu.memory_space<vmem>> -> memref<128x64xf32, #tpu.memory_space<vmem>>
        %dma_start3A_234 = arith.constant 0 : i32
        %dma_start3A_235 = tpu.memref_slice %arg5[%add3A_230, %dma_start3A_234] : memref<200x128xi32, #tpu.memory_space<vmem>> -> memref<1x128xi32, #tpu.memory_space<vmem>>
        %dma_start3A_236 = tpu.memref_squeeze %dma_start3A_235 : memref<1x128xi32, #tpu.memory_space<vmem>> -> memref<128xi32, #tpu.memory_space<vmem>>
        %dma_start3A_237 = arith.constant 0 : i32
        %dma_start3A_238 = arith.constant 0 : i32
        %dma_start3A_239 = tpu.memref_slice %arg3[%dma_start3A_237, %dma_start3A_238] : memref<1000000x64xf32, #tpu.memory_space<hbm>> -> memref<1000000x64xf32, #tpu.memory_space<hbm>>
        tpu.enqueue_indirect_dma source(%dma_start3A_239 : memref<1000000x64xf32, #tpu.memory_space<hbm>>) target(%dma_start3A_233 : memref<128x64xf32, #tpu.memory_space<vmem>>) offsets(%dma_start3A_236 : memref<128xi32, #tpu.memory_space<vmem>>) semaphore(%arg9 : memref<!tpu.dma_semaphore, #tpu.memory_space<semaphore_mem>>)
        %add3A_240 = arith.constant 150 : i32
        %add3A_241 = arith.addi %add3A_240, %add3A_206 : i32
        %dma_start3A_242 = arith.constant 384 : i32
        %dma_start3A_243 = arith.constant 0 : i32
        %dma_start3A_244 = tpu.memref_slice %arg6[%dma_start3A_242, %dma_start3A_243] : memref<512x64xf32, #tpu.memory_space<vmem>> -> memref<128x64xf32, #tpu.memory_space<vmem>>
        %dma_start3A_245 = arith.constant 0 : i32
        %dma_start3A_246 = tpu.memref_slice %arg5[%add3A_241, %dma_start3A_245] : memref<200x128xi32, #tpu.memory_space<vmem>> -> memref<1x128xi32, #tpu.memory_space<vmem>>
        %dma_start3A_247 = tpu.memref_squeeze %dma_start3A_246 : memref<1x128xi32, #tpu.memory_space<vmem>> -> memref<128xi32, #tpu.memory_space<vmem>>
        %dma_start3A_248 = arith.constant 0 : i32
        %dma_start3A_249 = arith.constant 0 : i32
        %dma_start3A_250 = tpu.memref_slice %arg3[%dma_start3A_248, %dma_start3A_249] : memref<1000000x64xf32, #tpu.memory_space<hbm>> -> memref<1000000x64xf32, #tpu.memory_space<hbm>>
        tpu.enqueue_indirect_dma source(%dma_start3A_250 : memref<1000000x64xf32, #tpu.memory_space<hbm>>) target(%dma_start3A_244 : memref<128x64xf32, #tpu.memory_space<vmem>>) offsets(%dma_start3A_247 : memref<128xi32, #tpu.memory_space<vmem>>) semaphore(%arg9 : memref<!tpu.dma_semaphore, #tpu.memory_space<semaphore_mem>>)
      } else {
      }
      %parallel_loop3A_199 = arith.constant 0 : i32
      %parallel_loop3A_200 = arith.constant 512 : i32
      %parallel_loop3A_201 = arith.constant 1 : i32
      scf.for %parallel_loop3A_205 = %parallel_loop3A_199 to %parallel_loop3A_200 step %parallel_loop3A_201  : i32 {
        %parallel_loop3A_206 = vector.broadcast %parallel_loop3A_205 : i32 to vector<16xi32>
        %parallel_loop3A_207 = arith.index_cast %parallel_loop3A_205 : i32 to index
        %parallel_loop3A_208 = arith.constant 0 : index
        %parallel_loop3A_209 = tpu.vector_load %arg7[%parallel_loop3A_207, %parallel_loop3A_208] {strides = array<i32>} : memref<512x64xf32, #tpu.memory_space<vmem>>, vector<16xf32>,
        %parallel_loop3A_210 = arith.constant 0 : i32
        %parallel_loop3A_211 = vector.broadcast %parallel_loop3A_210 : i32 to vector<16xi32>
        %parallel_loop3A_212 = arith.addi %iota3A, %parallel_loop3A_211 : vector<16xi32>
        tpu.vector_store_idx %arg8[%parallel_loop3A_212, %parallel_loop3A_206], %parallel_loop3A_209 : memref<64x520xf32, #tpu.memory_space<vmem>>[vector<16xi32>, vector<16xi32>], vector<16xf32>,
        %parallel_loop3A_213 = arith.index_cast %parallel_loop3A_205 : i32 to index
        %parallel_loop3A_214 = arith.constant 16 : index
        %parallel_loop3A_215 = tpu.vector_load %arg7[%parallel_loop3A_213, %parallel_loop3A_214] {strides = array<i32>} : memref<512x64xf32, #tpu.memory_space<vmem>>, vector<16xf32>,
        %parallel_loop3A_216 = arith.constant 16 : i32
        %parallel_loop3A_217 = vector.broadcast %parallel_loop3A_216 : i32 to vector<16xi32>
        %parallel_loop3A_218 = arith.addi %iota3A, %parallel_loop3A_217 : vector<16xi32>
        tpu.vector_store_idx %arg8[%parallel_loop3A_218, %parallel_loop3A_206], %parallel_loop3A_215 : memref<64x520xf32, #tpu.memory_space<vmem>>[vector<16xi32>, vector<16xi32>], vector<16xf32>,
        %parallel_loop3A_219 = arith.index_cast %parallel_loop3A_205 : i32 to index
        %parallel_loop3A_220 = arith.constant 32 : index
        %parallel_loop3A_221 = tpu.vector_load %arg7[%parallel_loop3A_219, %parallel_loop3A_220] {strides = array<i32>} : memref<512x64xf32, #tpu.memory_space<vmem>>, vector<16xf32>,
        %parallel_loop3A_222 = arith.constant 32 : i32
        %parallel_loop3A_223 = vector.broadcast %parallel_loop3A_222 : i32 to vector<16xi32>
        %parallel_loop3A_224 = arith.addi %iota3A, %parallel_loop3A_223 : vector<16xi32>
        tpu.vector_store_idx %arg8[%parallel_loop3A_224, %parallel_loop3A_206], %parallel_loop3A_221 : memref<64x520xf32, #tpu.memory_space<vmem>>[vector<16xi32>, vector<16xi32>], vector<16xf32>,
        %parallel_loop3A_225 = arith.index_cast %parallel_loop3A_205 : i32 to index
        %parallel_loop3A_226 = arith.constant 48 : index
        %parallel_loop3A_227 = tpu.vector_load %arg7[%parallel_loop3A_225, %parallel_loop3A_226] {strides = array<i32>} : memref<512x64xf32, #tpu.memory_space<vmem>>, vector<16xf32>,
        %parallel_loop3A_228 = arith.constant 48 : i32
        %parallel_loop3A_229 = vector.broadcast %parallel_loop3A_228 : i32 to vector<16xi32>
        %parallel_loop3A_230 = arith.addi %iota3A, %parallel_loop3A_229 : vector<16xi32>
        tpu.vector_store_idx %arg8[%parallel_loop3A_230, %parallel_loop3A_206], %parallel_loop3A_227 : memref<64x520xf32, #tpu.memory_space<vmem>>[vector<16xi32>, vector<16xi32>], vector<16xf32>,
      } {sc.loop_unroll_factor = 8 : i64, sc.parallel_access}
      %add3A_202 = arith.addi %mul3A_34, %add3A_147 : i32
      %mul3A_203 = arith.constant 64 : i32
      %mul3A_204 = arith.muli %add3A_202, %mul3A_203 : i32
      "tpu.region"() ({
        %run_scoped3A = tpu.sem_alloc : memref<!tpu.dma_semaphore, #tpu.memory_space<semaphore_mem>>
        %dma_start3A_205 = arith.constant 0 : i32
        %dma_start3A_206 = arith.constant 0 : i32
        %dma_start3A_207 = tpu.memref_slice %arg8[%dma_start3A_205, %dma_start3A_206] : memref<64x520xf32, #tpu.memory_space<vmem>> -> memref<64x512xf32, #tpu.memory_space<vmem>>
        %dma_start3A_208 = tpu.memref_slice %arg4[%mul3A_204, %mul3A_11] : memref<12800x4096xf32, #tpu.memory_space<hbm>> -> memref<64x512xf32, #tpu.memory_space<hbm>>
        %dma_start3A_209 = tpu.memref_slice %arg4[%mul3A_204, %mul3A_11] : memref<12800x4096xf32, #tpu.memory_space<hbm>> -> memref<64x512xf32, #tpu.memory_space<hbm>>
        %dma_start3A_210 = arith.constant 0 : i32
        %dma_start3A_211 = arith.constant 0 : i32
        %dma_start3A_212 = tpu.memref_slice %arg8[%dma_start3A_210, %dma_start3A_211] : memref<64x520xf32, #tpu.memory_space<vmem>> -> memref<64x512xf32, #tpu.memory_space<vmem>>
        tpu.enqueue_dma source(%dma_start3A_212 : memref<64x512xf32, #tpu.memory_space<vmem>>) target(%dma_start3A_209 : memref<64x512xf32, #tpu.memory_space<hbm>>) target_semaphore(%run_scoped3A : memref<!tpu.dma_semaphore, #tpu.memory_space<semaphore_mem>>)
        %dma_wait3A_213 = arith.constant 0 : i32
        %dma_wait3A_214 = arith.constant 0 : i32
        %dma_wait3A_215 = tpu.memref_slice %arg8[%dma_wait3A_213, %dma_wait3A_214] : memref<64x520xf32, #tpu.memory_space<vmem>> -> memref<64x512xf32, #tpu.memory_space<vmem>>
        %dma_wait3A_216 = tpu.memref_slice %arg4[%mul3A_204, %mul3A_11] : memref<12800x4096xf32, #tpu.memory_space<hbm>> -> memref<64x512xf32, #tpu.memory_space<hbm>>
        %dma_wait3A_217 = tpu.memref_slice %arg4[%mul3A_204, %mul3A_11] : memref<12800x4096xf32, #tpu.memory_space<hbm>> -> memref<64x512xf32, #tpu.memory_space<hbm>>
        %dma_wait3A_218 = arith.constant 0 : i32
        %dma_wait3A_219 = arith.constant 0 : i32
        %dma_wait3A_220 = tpu.memref_slice %arg8[%dma_wait3A_218, %dma_wait3A_219] : memref<64x520xf32, #tpu.memory_space<vmem>> -> memref<64x512xf32, #tpu.memory_space<vmem>>
        tpu.wait_dma2 semaphore(%run_scoped3A : memref<!tpu.dma_semaphore, #tpu.memory_space<semaphore_mem>>) src(%dma_wait3A_220 : memref<64x512xf32, #tpu.memory_space<vmem>>) dst(%dma_wait3A_217 : memref<64x512xf32, #tpu.memory_space<hbm>>)
        tpu.yield
      }) : () -> ()
    }
    %scan3A_85 = arith.constant 25 : i32
    return
  }
}

</mosaic_0001>

<sc_bundles>
// kernel: _lookup.3.cloned.1.call-start
scs
__scs_entry_jumppad:
0x0: {  	(pc) =	sbr.rel $0x88, $3  }
0x1: {  	(tag) =	ssettag $0x0;
	lr =	simm.s32 $0x1  }
0x2: {  	[smem:$0x3F9F] =	sst lr;
	_ =	strace $0xD0000000  }
0x3: {  	_ = 	snop  }
0x4: {  	_ = 	snop  }
0x5: {  	_ = 	snop  }
0x6: {  	_ = 	snop  }
0x7: {  	_ = 	snop  }
__scs_overlays_trampoline_lowered:
0x8: {  	[smem:$0x3FAE] =	sst s0  }
0x9: {  	[smem:$0x3FAF] =	sst s1  }
0xa: {  	[smem:$0x3FB0] =	sst s2  }
0xb: {  	[smem:$0x3FB1] =	sst s3  }
0xc: {  	[smem:$0x3FB2] =	sst s4  }
0xd: {  	[smem:$0x3FB3] =	sst s5  }
0xe: {  	[smem:$0x3FB4] =	sst s6  }
0xf: {  	[smem:$0x3FB5] =	sst s7  }
0x10: {  	[smem:$0x3FB6] =	sst s8  }
0x11: {  	[smem:$0x3FB7] =	sst s9;
	s0 =	simm.s32 @!p0 $0x0  }
0x12: {  	s1 =	sld [smem:$0x3F9D];
	s0 =	simm.s32 @p0 $0x1  }
0x13: {  	[smem:$0x3FB8] =	sst s0;
	s0 =	simm.s32 @!p1 $0x0  }
0x14: {  	s2 =	sld [smem:$0x3F9C];
	s0 =	simm.s32 @p1 $0x1  }
0x15: {  	[smem:$0x3FB9] =	sst s0;
	s0 =	simm.s32 @!p2 $0x0  }
0x16: {  	s3 =	sld [smem:$0x3FDB];
	s0 =	simm.s32 @p2 $0x1  }
0x17: {  	s4 =	simm.s32 $0x1BF5;
	[smem:$0x3FBB] =	sst s0  }
0x18: {  	s0 =	sld [smem:$0x3F9E];
	_ =	swait.ge [sflag:s4], $0x0  }
0x19: {  	s7 =	sld [smem:$0x3F9F]  }
0x1a: {  	s8 =	sadd.s32 $0xFFFFE003, lr  }
0x1b: {  	s9 =	sadd.s32 $0xFFFFFEF7, lr;
	s5 =	simm.s32 $0xFFFFFFFF;
	p2 =	slt.u32 s8, $0xFFFFF086  }
0x1c: {  	p1 =	slt.u32 s9, $0xF7A;
	s5 =	simm.s32 @!p2 $0x0  }
0x1d: {  	s5 =	simm.s32 @p1 $0x1;
	p0 =	seq.s32 s7, s2  }
0x1e: {  	s7 =	smul.u32 @!p0 $0xF7A, s2;
	p2 =	seq.s32 @!p0 s5, $0x0  }
0x1f: {  	s9 =	smul.u32 $0xF7A, s1;
	s8 =	simm.s32 @!p0 $0x1BF5;
	p2 =	por !p2, p0  }
0x20: {  	[sflag:s8] =	ssyncset.s32 @!p0 $0xFFFFF086;
	s6 =	sadd.s32 @!p0 s3, s7;
	s7 =	simm.s32 @!p0 $0x108  }
0x21: {  	s3 =	sadd.s32 s3, s9;
	s6 =	sadd.s32 @!p0 $0x88, s6;
	s7 =	simm.s32 @p2 $0x1082  }
0x22: {  	[simem:s7], [sflag:s8] =	dma.local @!p0 [hbm:s6], $0xF7A  }
0x23: {  	s9 =	sor.u32 $0xD0000000, s2;
	s6 =	simm.s32 $0x108;
	_ =	swait.ge @!p0 [sflag:s8], $0x0  }
0x24: {  	s3 =	sadd.s32 $0x88, s3;
	s6 =	simm.s32 @!p1 $0x1082;
	[sflag:s4] =	ssyncset.s32 $0xFFFFF086  }
0x25: {  	[simem:s6], [sflag:s4] =	dma.local [hbm:s3], $0xF7A  }
0x26: {  	[smem:$0x3F9F] =	sst s1;
	(tag) =	ssettag s2;
	_ =	strace s9  }
0x27: {  	s1 =	sld [smem:$0x3FAF]  }
0x28: {  	s2 =	sld [smem:$0x3FB0]  }
0x29: {  	s4 =	sld [smem:$0x3FB2]  }
0x2a: {  	p0 =	seq.s32 s5, $0x0;
	s5 =	sld [smem:$0x3FB3]  }
0x2b: {  	s6 =	sld [smem:$0x3FB4]  }
0x2c: {  	s7 =	sld [smem:$0x3FB5]  }
0x2d: {  	s3 =	simm.s32 $0x108;
	s8 =	sld [smem:$0x3FB6]  }
0x2e: {  	s3 =	simm.s32 @!p0 $0x1082;
	s9 =	sld [smem:$0x3FB7]  }
0x2f: {  	lr =	sadd.s32 s0, s3;
	s0 =	sld [smem:$0x3FAE]  }
0x30: {  	s3 =	sld [smem:$0x3FB1]  }
0x31: {  	[smem:$0x3FBA] =	sst s10  }
0x32: {  	s10 =	sld [smem:$0x3FB8];
	_ =	sdelay $0x3  }
0x33: {  	p0 =	seq.s32 s10, $0x1;
	s10 =	sld [smem:$0x3FBA];
	_ =	sdelay $0x3  }
0x34: {  	[smem:$0x3FBA] =	sst s10  }
0x35: {  	s10 =	sld [smem:$0x3FB9];
	_ =	sdelay $0x3  }
0x36: {  	p1 =	seq.s32 s10, $0x1;
	s10 =	sld [smem:$0x3FBA];
	_ =	sdelay $0x3  }
0x37: {  	[smem:$0x3FBA] =	sst s10  }
0x38: {  	s10 =	sld [smem:$0x3FBB]  }
0x39: {  	_ = 	snop;
	(pc) =	sbr.ind lr, $3  }
0x3a: {  	_ = 	snop  }
0x3b: {  	_ = 	snop  }
0x3c: {  	p2 =	seq.s32 s10, $0x1;
	s10 =	sld [smem:$0x3FBA]  }
0x3d: {  	_ =	shalt  }
0x3e: {  	_ =	shalt  }
0x3f: {  	_ =	shalt  }
0x40: {  	_ =	shalt  }
0x41: {  	_ =	shalt  }
0x42: {  	_ =	shalt  }
0x43: {  	_ =	shalt  }
0x44: {  	_ =	shalt  }
0x45: {  	_ =	shalt  }
0x46: {  	_ =	shalt  }
0x47: {  	_ =	shalt  }
0x48: {  	_ =	shalt  }
0x49: {  	_ =	shalt  }
0x4a: {  	_ =	shalt  }
0x4b: {  	_ =	shalt  }
0x4c: {  	_ =	shalt  }
0x4d: {  	_ =	shalt  }
0x4e: {  	_ =	shalt  }
0x4f: {  	_ =	shalt  }
0x50: {  	_ =	shalt  }
0x51: {  	_ =	shalt  }
0x52: {  	_ =	shalt  }
0x53: {  	_ =	shalt  }
0x54: {  	_ =	shalt  }
0x55: {  	_ =	shalt  }
0x56: {  	_ =	shalt  }
0x57: {  	_ =	shalt  }
0x58: {  	_ =	shalt  }
0x59: {  	_ =	shalt  }
0x5a: {  	_ =	shalt  }
0x5b: {  	_ =	shalt  }
0x5c: {  	_ =	shalt  }
0x5d: {  	_ =	shalt  }
0x5e: {  	_ =	shalt  }
0x5f: {  	_ =	shalt  }
0x60: {  	_ =	shalt  }
0x61: {  	_ =	shalt  }
0x62: {  	_ =	shalt  }
0x63: {  	_ =	shalt  }
0x64: {  	_ =	shalt  }
0x65: {  	_ =	shalt  }
0x66: {  	_ =	shalt  }
0x67: {  	_ =	shalt  }
0x68: {  	_ =	shalt  }
0x69: {  	_ =	shalt  }
0x6a: {  	_ =	shalt  }
0x6b: {  	_ =	shalt  }
0x6c: {  	_ =	shalt  }
0x6d: {  	_ =	shalt  }
0x6e: {  	_ =	shalt  }
0x6f: {  	_ =	shalt  }
0x70: {  	_ =	shalt  }
0x71: {  	_ =	shalt  }
0x72: {  	_ =	shalt  }
0x73: {  	_ =	shalt  }
0x74: {  	_ =	shalt  }
0x75: {  	_ =	shalt  }
0x76: {  	_ =	shalt  }
0x77: {  	_ =	shalt  }
0x78: {  	_ =	shalt  }
0x79: {  	_ =	shalt  }
0x7a: {  	_ =	shalt  }
0x7b: {  	_ =	shalt  }
0x7c: {  	_ =	shalt  }
0x7d: {  	_ =	shalt  }
0x7e: {  	_ =	shalt  }
0x7f: {  	_ =	shalt  }
0x80: {  	_ =	shalt  }
0x81: {  	_ =	shalt  }
0x82: {  	_ =	shalt  }
0x83: {  	_ =	shalt  }
0x84: {  	_ =	shalt  }
0x85: {  	_ =	shalt  }
0x86: {  	_ =	shalt  }
0x87: {  	_ =	shalt  }
.Lfunc_end0:
.L_simem_size_0:
called_computation_lowered:
.L_overlay_start_0:
0x88: {  	s2 =	sld [smem:$0x3FD9]  }
0x89: {  	s3 =	sld [smem:$0x3FFE];
	_ =	sdelay $0x1  }
0x8a: {  	s1 =	srdreg.scid  }
0x8b: {  	s0 =	sand.u32 $0x1, s1  }
0x8c: {  	s17 =	sshll.u32 s0, $0xA;
	s2 =	sadd.s32 s3, s2  }
0x8d: {  	s2 =	sadd.s32 s2, s17  }
0x8e: {  	[smem:$0x3FC6] =	sst s2  }
0x8f: {  	_ = 	snop  }
0x90: {  	s2 =	sld [smem:$0x3FD0];
	(tm) =	ssettm $0x1  }
0x91: {  	s18 =	sld [smem:$0x3FFB];
	_ =	sdelay $0x3  }
0x92: {  	_ =	strace s18  }
0x93: {  	s3 =	sld [smem:$0x3FFC];
	_ =	sdelay $0x3  }
0x94: {  	_ =	strace s3  }
0x95: {  	s3 =	sld [smem:$0x3FFD];
	_ =	sdelay $0x3  }
0x96: {  	_ =	strace s3  }
0x97: {  	_ =	strace $0x8FFFFFFF  }
0x98: {  	s19 =	sld [smem:$0x3FDB];
	_ =	sdelay $0x1  }
0x99: {  	s4 =	simm.s32 $_scs_section_size  }
0x9a: {  	s5 =	simm.s32 $_size__tile_overlayer_lowered;
	s6 =	simm.s32 $_tile_overlayer_lowered  }
0x9b: {  	s22 =	simm.s32 $0x1BFF;
	s21 =	sshll.u32 s6, $0x1;
	s3 =	sadd.s32 s4, s19  }
0x9c: {  	s7 =	simm.s32 $0x0;
	s20 =	sshll.u32 s5, $0x1;
	s5 =	sadd.s32 s21, s3  }
0x9d: {  	[timem:s7], [sflag:s22] =	dma.local [hbm:s5], s20  }
0x9e: {  	_ =	swait.ge [sflag:s22], s20  }
0x9f: {  	s4 =	ssub.s32 $0x0, s20;
	[sflag:s22] =	ssyncset.done $0x0  }
0xa0: {  	[sflag:s22] =	ssyncadd.s32 s4;
	_ =	sdelay $0x1  }
0xa1: {  	s23 =	simm.s32 $0x1B8B  }
0xa2: {  	_ =	swait.ge [sflag:s23], $0x1  }
0xa3: {  	[sflag:s23] =	ssyncset.done $0x0  }
0xa4: {  	s25 =	simm.s32 $0x1B8E;
	s24 =	sld [smem:$0x3FFE];
	[sflag:s23] =	ssyncadd.s32 $0xFFFFFFFF  }
0xa5: {  	s26 =	simm.s32 $execute0_lowered;
	[smem:$0x3FD2] =	sst s25  }
0xa6: {  	s5 =	sshll.u32 s26, $0x1;
	_ =	strace $0x80000046;
	[dreg:$0x1] =	wrdreg $0xFFFFFFFF  }
0xa7: {  	s28 =	simm.s32 $_size_execute0_lowered;
	s3 =	sadd.s32 s3, s5;
	[dreg:$0x0] =	wrdreg $0x0  }
0xa8: {  	s5 =	sshll.u32 s28, $0x1;
	[dreg:$0x2] =	wrdreg s3  }
0xa9: {  	[dreg:$0x3] =	wrdreg s5  }
0xaa: {  	[dreg:$0x4] =	wrdreg $0xC0  }
0xab: {  	_ =	task [dreg:s7], $0x5FFFF  }
0xac: {  	[dreg:$0x1] =	wrdreg $0xFFFFFFFF  }
0xad: {  	[dreg:$0x0] =	wrdreg $0x60  }
0xae: {  	[dreg:$0x2] =	wrdreg s2  }
0xaf: {  	[dreg:$0x3] =	wrdreg s24  }
0xb0: {  	[dreg:$0x4] =	wrdreg $0x9  }
0xb1: {  	_ =	task.clear_ibuf [dreg:s7], $0x5FFFF;
	_ =	strace $0x90000046  }
0xb2: {  	s29 =	simm.s32 $0x9;
	_ =	strace $0x80000048  }
0xb3: {  	_ =	swait.ge [sflag:s29], $0x1  }
0xb4: {  	[sflag:s29] =	ssyncadd.s32 $0xFFFFFFFF  }
0xb5: {  	_ =	strace $0x90000048  }
0xb6: {  	_ =	sfence  }
0xb7: {  	s30 =	sld [smem:$0x0];
	_ =	sdelay $0x2  }
0xb8: {  	s31 =	sshll.u32 s1, $0xD;
	s1 =	sshrl.u32 s1, $0x2  }
0xb9: {  	s3 =	sand.u32 $0x4000, s31;
	s1 =	sadd.s32 s1, s30  }
0xba: {  	s0 =	sor.u32 s3, s0;
	s1 =	sshll.u32 s1, $0x11  }
0xbb: {  	s0 =	sor.u32 s1, s0  }
0xbc: {  	s0 =	sadd.s32 $0x8F2B, s0  }
0xbd: {  	[sflag:s0] =	ssyncadd.remote.s32 $0x1  }
0xbe: {  	_ =	sfence.sel $0xFFFF  }
0xbf: {  	[dreg:$0x0] =	wrdreg $0xFFFFFFFF;
	(pc) =	sbr.abs _section_cstart, $3  }
0xc0: {  	[dreg:$0x1] =	wrdreg $0xFFFFFFFF  }
0xc1: {  	_ =	task.clear_ibuf [dreg:s7], $0x2FFFF;
	_ =	strace $0x9FFFFFFF  }
0xc2: {  	(tm) =	ssettm $0x7FFFFFFF  }
0xc3: {  	_ =	shalt  }
tec
execute0_lowered:
.L_overlay_start_1:
0x0: {  	(tag) =	ssettag $0x1  }
0x1: {  	s0 =	rddreg [dreg:$0x0]  }
0x2: {  	s1 =	rddreg [dreg:$0x1];
	v0 =	vlaneseq.u32  }
0x3: {  	s4 =	stileid.u32;
	s2 =	srdreg.scid;
	v0 =	vmul.u32 $0x208, v0  }
0x4: {  	v1 =	vimm.s32 $0x0;
	vm0 =	vcmask $0x300;
	s12 =	simm.s32 $0x80;
	s13 =	simm.s32 $0x1000;
	s14 =	simm.s32 $0x3  }
0x5: {  	s16 =	simm.s32 $0x3200;
	s17 =	simm.s32 $0x4B00;
	s22 =	simm.s32 $0x1;
	v1 =	vsel vm0, $0x3, v1;
	v2 =	vadd.s32 $0x2080, v0  }
0x6: {  	s23 =	simm.s32 $0xE400;
	s24 =	simm.s32 $0x10400;
	s25 =	simm.s32 $0x12400;
	v3 =	vadd.s32 $0x4100, v0;
	v4 =	vadd.s32 $0x6180, v0;
	v5 =	vor.u32 $0x1, v0  }
0x7: {  	s28 =	simm.s32 $0x16400;
	s29 =	simm.s32 $0x2;
	s30 =	simm.s32 $0x0;
	v6 =	vadd.s32 $0x2081, v0;
	v7 =	vadd.s32 $0x4101, v0;
	v8 =	vadd.s32 $0x6181, v0  }
0x8: {  	s3 =	sshll.u32 s4, $0x1;
	s5 =	sand.u32 $0x1, s2;
	s7 =	sshrl.u32 s4, $0x2;
	v9 =	vor.u32 $0x2, v0;
	v10 =	vadd.s32 $0x2082, v0;
	v11 =	vadd.s32 $0x4102, v0  }
0x9: {  	s2 =	simm.s32 $0x0;
	s3 =	sand.u32 $0x6, s3;
	s4 =	smul.u32 $0x32000, s7;
	v12 =	vadd.s32 $0x6182, v0;
	v13 =	vor.u32 $0x3, v0;
	v14 =	vadd.s32 $0x2083, v0  }
0xa: {  	[smem:$0x7FF] =	sst s2;
	s7 =	smul.u32 $0x32, s7;
	s3 =	sor.u32 s5, s3;
	v15 =	vadd.s32 $0x4103, v0;
	v16 =	vadd.s32 $0x6183, v0;
	v17 =	vor.u32 $0x4, v0  }
0xb: {  	s8 =	ssub.s32 $0x2, s5;
	_ =	strace $0x80000047;
	v18 =	vadd.s32 $0x2084, v0;
	v19 =	vadd.s32 $0x4104, v0;
	v20 =	vadd.s32 $0x6184, v0;
	s3 =	sshll.u32 s3, $0x9  }
0xc: {  	s5 =	sadd.s32 $0x600, s1;
	s26 =	sshrl.u32 s8, $0x1;
	v21 =	vor.u32 $0x5, v0;
	v22 =	vadd.s32 $0x2085, v0;
	v23 =	vadd.s32 $0x4105, v0;
	s6 =	sor.u32 s4, s3  }
0xd: {  	v24 =	vadd.s32 $0x6185, v0;
	v25 =	vor.u32 $0x6, v0;
	v26 =	vadd.s32 $0x2086, v0;
	s31 =	ssub.s32 s8, s26;
	s26 =	simm.s32 $0x14400;
	s6 =	sshrl.u32 s6, $0x3  }
0xe: {  	v27 =	vadd.s32 $0x4106, v0;
	v28 =	vadd.s32 $0x6186, v0;
	v29 =	vor.u32 $0x7, v0;
	s4 =	sadd.s32 $0xF42A00, s1;
	s11 =	smax.u32 s31, $0x1;
	s6 =	sadd.s32 s0, s6  }
0xf: {  	v30 =	vadd.s32 $0x2087, v0;
	v31 =	vadd.s32 $0x4107, v0;
	v32 =	vadd.s32 $0x6187, v0;
	s8 =	sadd.s32 $0x10, s6;
	s9 =	sadd.s32 $0x20, s6;
	s10 =	sadd.s32 $0x30, s6  }
.LBB2_1:
0x10: {  	[tilespmem:s2], [sflag:$0x3] =	stream.strided.gather [hbm4b:s6+s12], $0x1900, s13, s12, $0x38;
	[tilespmem:$0x1E600] =	vst v63  }
0x11: {  	_ =	swait.ge [sflag:s14], $0x1900  }
0x12: {  	[sflag:s14] =	ssyncset.done $0x0  }
0x13: {  	s0 =	simm.s32 $0x1900;
	[sflag:s14] =	ssyncadd.s32 $0xFFFFE700  }
0x14: {  	[tilespmem:s0], [sflag:$0x3] =	stream.strided.gather [hbm4b:s8+s12], $0x1900, s13, s12, $0x38;
	[tilespmem:$0x1E600] =	vst v63  }
0x15: {  	_ =	swait.ge [sflag:s14], $0x1900  }
0x16: {  	[sflag:s14] =	ssyncset.done $0x0  }
0x17: {  	[sflag:s14] =	ssyncadd.s32 $0xFFFFE700  }
0x18: {  	[tilespmem:s16], [sflag:$0x3] =	stream.strided.gather [hbm4b:s9+s12], $0x1900, s13, s12, $0x38;
	[tilespmem:$0x1E600] =	vst v63  }
0x19: {  	_ =	swait.ge [sflag:s14], $0x1900  }
0x1a: {  	[sflag:s14] =	ssyncset.done $0x0  }
0x1b: {  	[sflag:s14] =	ssyncadd.s32 $0xFFFFE700  }
0x1c: {  	[tilespmem:s17], [sflag:$0x3] =	stream.strided.gather [hbm4b:s10+s12], $0x1900, s13, s12, $0x38;
	[tilespmem:$0x1E600] =	vst v63  }
0x1d: {  	_ =	swait.ge [sflag:s14], $0x1900  }
0x1e: {  	[sflag:s14] =	ssyncset.done $0x0  }
0x1f: {  	s1 =	simm.s32 $0x6400;
	[sflag:s14] =	ssyncadd.s32 $0xFFFFE700  }
0x20: {  	[tilespmem:s1], [sflag:$0x1] =	stream.indirect.gather [hbm4b:s4+s12], $0x40, s2, s12, $0xb8;
	[tilespmem:$0x1E600] =	vst v63  }
0x21: {  	s19 =	simm.s32 $0x8400  }
0x22: {  	[tilespmem:s19], [sflag:$0x1] =	stream.indirect.gather [hbm4b:s4+s12], $0x40, s0, s12, $0xb8;
	[tilespmem:$0x1E600] =	vst v63  }
0x23: {  	s20 =	simm.s32 $0xA400  }
0x24: {  	[tilespmem:s20], [sflag:$0x1] =	stream.indirect.gather [hbm4b:s4+s12], $0x40, s16, s12, $0xb8;
	[tilespmem:$0x1E600] =	vst v63  }
0x25: {  	s21 =	simm.s32 $0xC400;
	s31 =	simm.s32 $0x0  }
0x26: {  	[tilespmem:s21], [sflag:$0x1] =	stream.indirect.gather [hbm4b:s4+s12], $0x40, s17, s12, $0xb8;
	[tilespmem:$0x1E600] =	vst v63  }
.LBB2_2:
0x27: {  	_ =	swait.ge [sflag:s22], $0x2000  }
0x28: {  	[sflag:s22] =	ssyncset.done $0x0  }
0x29: {  	[sflag:s22] =	ssyncadd.s32 $0xFFFFE000  }
0x2a: {  	_ =	swait.ge [sflag:s22], $0x2000  }
0x2b: {  	[sflag:s22] =	ssyncset.done $0x0  }
0x2c: {  	[sflag:s22] =	ssyncadd.s32 $0xFFFFE000  }
0x2d: {  	_ =	swait.ge [sflag:s22], $0x2000  }
0x2e: {  	[sflag:s22] =	ssyncset.done $0x0  }
0x2f: {  	s0 =	sshllo.u32 s31, $0x1;
	s15 =	sshll.u32 s31, $0x8;
	[sflag:s22] =	ssyncadd.s32 $0xFFFFE000  }
0x30: {  	s19 =	simm.s32 $0x0;
	s20 =	simm.s32 $0x1;
	_ =	swait.ge [sflag:s22], $0x2000  }
0x31: {  	s21 =	simm.s32 $0x3;
	s1 =	sshll.u32 s0, $0x7;
	[sflag:s22] =	ssyncset.done $0x0  }
0x32: {  	v34 =	vmov s20;
	s20 =	simm.s32 $0x4;
	s1 =	sand.u32 $0x3FFFFF80, s1;
	[sflag:s22] =	ssyncadd.s32 $0xFFFFE000  }
0x33: {  	v33 =	vmov s19;
	[tilespmem:s23], [sflag:$0x2] =	stream.indirect.gather [hbm4b:s4+s12], $0x40, s1, s12, $0xb8;
	[tilespmem:$0x1E600] =	vst v63  }
0x34: {  	s19 =	simm.s32 $0x7;
	v36 =	vmov s21;
	s21 =	simm.s32 $0x5;
	v33 =	vshrl.u32 v33, $0x3;
	s1 =	sand.u32 $0x3FFFFF00, s15  }
0x35: {  	v37 =	vmov s20;
	v38 =	vmov s19;
	v39 =	vmov s21;
	s19 =	simm.s32 $0x6;
	s15 =	sadd.s32 $0x1980, s1  }
0x36: {  	v34 =	vshrl.u32 v34, $0x3;
	v36 =	vshrl.u32 v36, $0x3;
	v33 =	vshll.u32 v33, v1;
	[tilespmem:s24], [sflag:$0x2] =	stream.indirect.gather [hbm4b:s4+s12], $0x40, s15, s12, $0xb8;
	[tilespmem:$0x1E600] =	vst v63  }
0x37: {  	v38 =	vshrl.u32 v38, $0x3;
	v40 =	vmov s19;
	v37 =	vshrl.u32 v37, $0x3;
	s18 =	sadd.s32 $0x3280, s1  }
0x38: {  	v34 =	vshll.u32 v34, v1;
	v52 =	vshll.u32 v36, v1;
	v38 =	vshll.u32 v38, v1;
	[tilespmem:s25], [sflag:$0x2] =	stream.indirect.gather [hbm4b:s4+s12], $0x40, s18, s12, $0xb8;
	[tilespmem:$0x1E600] =	vst v63  }
0x39: {  	s19 =	simm.s32 $0x6500;
	v55 =	vshrl.u32 v39, $0x3;
	v33 =	vbroadcast v33, $0x0;
	v38 =	vbroadcast v38, $0x0;
	s20 =	sadd.s32 $0x4B80, s1  }
0x3a: {  	v47 =	vbroadcast v34, $0x0;
	v54 =	vshll.u32 v37, v1;
	v36 =	vshll.u32 v55, v1;
	[tilespmem:s26], [sflag:$0x2] =	stream.indirect.gather [hbm4b:s4+s12], $0x40, s20, s12, $0xb8;
	[tilespmem:$0x1E600] =	vst v63  }
0x3b: {  	v40 =	vshrl.u32 v40, $0x3;
	v37 =	vbroadcast v36, $0x0;
	v42 =	vadd.s32 v29, v38;
	s18 =	simm.s32 $0x2;
	v41 =	vld [tilespmem:s19+$0xC0]  }
0x3c: {  	v56 =	vshll.u32 v40, v1;
	v44 =	vadd.s32 v0, v33;
	v35 =	vmov s18;
	v43 =	vld [tilespmem:s19+$0xFFFFFF00]  }
0x3d: {  	v46 =	vadd.s32 v5, v47;
	v36 =	vbroadcast v56, $0x0;
	v35 =	vshrl.u32 v35, $0x3;
	v45 =	vld [tilespmem:s19+$0xFFFFFF40]  }
0x3e: {  	v60 =	vadd.s32 v21, v37;
	v51 =	vshll.u32 v35, v1;
	v35 =	vbroadcast v52, $0x0;
	v59 =	vld [tilespmem:s19+$0x40]  }
0x3f: {  	v62 =	vadd.s32 v25, v36;
	v61 =	vld [tilespmem:s19+$0x80];
	v53 =	vbroadcast v51, $0x0  }
0x40: {  	v34 =	vbroadcast v54, $0x0;
	v39 =	vld [tilespmem:s19+$0xFFFFFFC0];
	v50 =	vadd.s32 v13, v35;
	[tilespmem:v42+s28+$0x0] =	vst.idx.msk $0xffff, v41  }
0x41: {  	v48 =	vld [tilespmem:s19+$0xFFFFFF80];
	v49 =	vadd.s32 v9, v53;
	[tilespmem:v44+s28+$0x0] =	vst.idx.msk $0xffff, v43  }
0x42: {  	v52 =	vadd.s32 v17, v34;
	v51 =	vld [tilespmem:s19+$0x0];
	[tilespmem:v46+s28+$0x0] =	vst.idx.msk $0xffff, v45  }
0x43: {  	v58 =	vadd.s32 v30, v38;
	[tilespmem:v60+s28+$0x0] =	vst.idx.msk $0xffff, v59;
	v57 =	vld [tilespmem:s19+$0xD0]  }
0x44: {  	v63 =	vadd.s32 v6, v47;
	[tilespmem:v62+s28+$0x0] =	vst.idx.msk $0xffff, v61;
	v46 =	vld [tilespmem:s19+$0xFFFFFF50]  }
0x45: {  	v45 =	vadd.s32 v22, v37;
	v44 =	vld [tilespmem:s19+$0x50];
	[tilespmem:v50+s28+$0x0] =	vst.idx.msk $0xffff, v39  }
0x46: {  	v56 =	vadd.s32 v14, v35;
	[tilespmem:v49+s28+$0x0] =	vst.idx.msk $0xffff, v48;
	v50 =	vld [tilespmem:s19+$0xFFFFFFD0]  }
0x47: {  	v55 =	vadd.s32 v10, v53;
	[tilespmem:v52+s28+$0x0] =	vst.idx.msk $0xffff, v51;
	v54 =	vld [tilespmem:s19+$0xFFFFFF90]  }
0x48: {  	v59 =	vadd.s32 v18, v34;
	[tilespmem:v58+s28+$0x0] =	vst.idx.msk $0xffff, v57;
	v58 =	vld [tilespmem:s19+$0x10]  }
0x49: {  	v57 =	vadd.s32 v31, v38;
	[tilespmem:v63+s28+$0x0] =	vst.idx.msk $0xffff, v46;
	v40 =	vld [tilespmem:s19+$0xE0]  }
0x4a: {  	v62 =	vadd.s32 v2, v33;
	v61 =	vld [tilespmem:s19+$0xFFFFFF10];
	[tilespmem:v45+s28+$0x0] =	vst.idx.msk $0xffff, v44  }
0x4b: {  	v60 =	vadd.s32 v26, v36;
	v63 =	vld [tilespmem:s19+$0x90];
	[tilespmem:v56+s28+$0x0] =	vst.idx.msk $0xffff, v50  }
0x4c: {  	v51 =	vadd.s32 v7, v47;
	v50 =	vld [tilespmem:s19+$0xFFFFFF60];
	[tilespmem:v55+s28+$0x0] =	vst.idx.msk $0xffff, v54  }
0x4d: {  	v56 =	vadd.s32 v11, v53;
	v55 =	vld [tilespmem:s19+$0xFFFFFFA0];
	[tilespmem:v59+s28+$0x0] =	vst.idx.msk $0xffff, v58  }
0x4e: {  	v58 =	vadd.s32 v15, v35;
	[tilespmem:v57+s28+$0x0] =	vst.idx.msk $0xffff, v40;
	v57 =	vld [tilespmem:s19+$0xFFFFFFE0]  }
0x4f: {  	v38 =	vadd.s32 v32, v38;
	[tilespmem:v62+s28+$0x0] =	vst.idx.msk $0xffff, v61;
	v54 =	vld [tilespmem:s19+$0xF0]  }
0x50: {  	[tilespmem:v60+s28+$0x0] =	vst.idx.msk $0xffff, v63;
	v60 =	vadd.s32 v19, v34;
	v59 =	vld [tilespmem:s19+$0x20]  }
0x51: {  	s21 =	simm.s32 $0x8;
	s18 =	simm.s32 $0x9;
	v41 =	vadd.s32 v23, v37;
	v43 =	vadd.s32 v27, v36;
	v40 =	vld [tilespmem:s19+$0x60];
	[tilespmem:v51+s28+$0x0] =	vst.idx.msk $0xffff, v50  }
0x52: {  	v52 =	vmov s18;
	s18 =	simm.s32 $0xC;
	v48 =	vadd.s32 v3, v33;
	v63 =	vmov s21;
	v42 =	vld [tilespmem:s19+$0xA0];
	[tilespmem:v56+s28+$0x0] =	vst.idx.msk $0xffff, v55  }
0x53: {  	s20 =	simm.s32 $0xA;
	v46 =	vmov s18;
	v45 =	vld [tilespmem:s19+$0xFFFFFF20];
	v53 =	vadd.s32 v12, v53;
	s21 =	simm.s32 $0xB;
	v39 =	vshrl.u32 v63, $0x3;
	[tilespmem:v58+s28+$0x0] =	vst.idx.msk $0xffff, v57  }
0x54: {  	v44 =	vmov s21;
	s21 =	simm.s32 $0xE;
	v51 =	vadd.s32 v8, v47;
	v49 =	vld [tilespmem:s19+$0xFFFFFF70];
	[tilespmem:v38+s28+$0x0] =	vst.idx.msk $0xffff, v54;
	v54 =	vmov s20;
	s20 =	simm.s32 $0xD  }
0x55: {  	s18 =	sshll.u32 s31, $0x1;
	v47 =	vshll.u32 v39, v1;
	v39 =	vmov s21;
	s21 =	simm.s32 $0xF;
	v50 =	vld [tilespmem:s19+$0xFFFFFFB0];
	[tilespmem:v60+s28+$0x0] =	vst.idx.msk $0xffff, v59;
	v38 =	vmov s20;
	s20 =	simm.s32 $0x10  }
.LBB2_3:
0x56: {  	p0 =	slt.u32 s20, $0x1F8;
	v52 =	vshrl.u32 v52, $0x3;
	v55 =	vmov s21;
	v56 =	vld [tilespmem:s19+$0xFFFFFFF0];
	v35 =	vadd.s32 v16, v35;
	[tilespmem:v41+s28+$0x0] =	vst.idx.msk $0xffff, v40  }
0x57: {  	v40 =	vshrl.u32 v54, $0x3;
	v34 =	vadd.s32 v20, v34;
	v41 =	vshrl.u32 v55, $0x3;
	v54 =	vld [tilespmem:s19+$0x30];
	[tilespmem:v43+s28+$0x0] =	vst.idx.msk $0xffff, v42  }
0x58: {  	v37 =	vadd.s32 v24, v37;
	v42 =	vshrl.u32 v44, $0x3;
	v41 =	vshll.u32 v41, v1;
	[tilespmem:v48+s28+$0x0] =	vst.idx.msk $0xffff, v45;
	v43 =	vld [tilespmem:s19+$0x70]  }
0x59: {  	v36 =	vadd.s32 v28, v36;
	v44 =	vshrl.u32 v46, $0x3;
	v41 =	vbroadcast v41, $0x0;
	[tilespmem:v51+s28+$0x0] =	vst.idx.msk $0xffff, v49;
	v45 =	vld [tilespmem:s19+$0xB0]  }
0x5a: {  	v46 =	vshll.u32 v52, v1;
	v49 =	vadd.s32 v4, v33;
	v33 =	vbroadcast v47, $0x0;
	v48 =	vld [tilespmem:s19+$0xFFFFFF30];
	[tilespmem:v53+s28+$0x0] =	vst.idx.msk $0xffff, v50;
	s19 =	sadd.s32 $0x200, s19  }
0x5b: {  	v40 =	vshll.u32 v40, v1;
	v47 =	vbroadcast v46, $0x0;
	v46 =	vld [tilespmem:s19+$0xC0];
	v50 =	vadd.s32 v29, v41;
	[tilespmem:v35+s28+$0x0] =	vst.idx.msk $0xffff, v56  }
0x5c: {  	v53 =	vbroadcast v40, $0x0;
	v52 =	vadd.s32 v0, v33;
	v35 =	vshll.u32 v42, v1;
	v51 =	vld [tilespmem:s19+$0xFFFFFF00];
	[tilespmem:v34+s28+$0x0] =	vst.idx.msk $0xffff, v54  }
0x5d: {  	v42 =	vadd.s32 v5, v47;
	v35 =	vbroadcast v35, $0x0;
	v34 =	vshll.u32 v44, v1;
	v40 =	vld [tilespmem:s19+$0xFFFFFF40];
	[tilespmem:v37+s28+$0x0] =	vst.idx.msk $0xffff, v43  }
0x5e: {  	v44 =	vadd.s32 v9, v53;
	v34 =	vbroadcast v34, $0x0;
	v37 =	vshrl.u32 v38, $0x3;
	v43 =	vld [tilespmem:s19+$0xFFFFFF80];
	[tilespmem:v36+s28+$0x0] =	vst.idx.msk $0xffff, v45  }
0x5f: {  	v39 =	vshrl.u32 v39, $0x3;
	v45 =	vadd.s32 v13, v35;
	v36 =	vshll.u32 v37, v1;
	v38 =	vld [tilespmem:s19+$0xFFFFFFC0];
	[tilespmem:v49+s28+$0x0] =	vst.idx.msk $0xffff, v48  }
0x60: {  	v49 =	vadd.s32 v17, v34;
	v37 =	vbroadcast v36, $0x0;
	v36 =	vshll.u32 v39, v1;
	v48 =	vld [tilespmem:s19+$0x0];
	[tilespmem:v50+s28+$0x0] =	vst.idx.msk $0xffff, v46  }
0x61: {  	v36 =	vbroadcast v36, $0x0;
	v46 =	vadd.s32 v30, v41;
	[tilespmem:v52+s28+$0x0] =	vst.idx.msk $0xffff, v51;
	v39 =	vld [tilespmem:s19+$0xD0]  }
0x62: {  	[tilespmem:v42+s28+$0x0] =	vst.idx.msk $0xffff, v40;
	v40 =	vld [tilespmem:s19+$0x40];
	v42 =	vadd.s32 v21, v37  }
0x63: {  	[tilespmem:v44+s28+$0x0] =	vst.idx.msk $0xffff, v43;
	v43 =	vld [tilespmem:s19+$0x80];
	v44 =	vadd.s32 v25, v36  }
0x64: {  	v51 =	vadd.s32 v6, v47;
	v50 =	vld [tilespmem:s19+$0xFFFFFF50];
	[tilespmem:v45+s28+$0x0] =	vst.idx.msk $0xffff, v38  }
0x65: {  	v45 =	vadd.s32 v10, v53;
	v38 =	vld [tilespmem:s19+$0xFFFFFF90];
	[tilespmem:v49+s28+$0x0] =	vst.idx.msk $0xffff, v48  }
0x66: {  	v49 =	vadd.s32 v14, v35;
	v48 =	vld [tilespmem:s19+$0xFFFFFFD0];
	[tilespmem:v46+s28+$0x0] =	vst.idx.msk $0xffff, v39  }
0x67: {  	[tilespmem:v42+s28+$0x0] =	vst.idx.msk $0xffff, v40;
	v39 =	vld [tilespmem:s19+$0xE0];
	v40 =	vadd.s32 v31, v41  }
0x68: {  	v46 =	vadd.s32 v18, v34;
	v42 =	vld [tilespmem:s19+$0x10];
	[tilespmem:v44+s28+$0x0] =	vst.idx.msk $0xffff, v43  }
0x69: {  	v44 =	vadd.s32 v22, v37;
	[tilespmem:v51+s28+$0x0] =	vst.idx.msk $0xffff, v50;
	v43 =	vld [tilespmem:s19+$0x50]  }
0x6a: {  	[tilespmem:v45+s28+$0x0] =	vst.idx.msk $0xffff, v38;
	v38 =	vld [tilespmem:s19+$0x90];
	v45 =	vadd.s32 v26, v36  }
0x6b: {  	v51 =	vadd.s32 v2, v33;
	v50 =	vld [tilespmem:s19+$0xFFFFFF10];
	[tilespmem:v49+s28+$0x0] =	vst.idx.msk $0xffff, v48  }
0x6c: {  	v49 =	vadd.s32 v7, v47;
	v48 =	vld [tilespmem:s19+$0xFFFFFF60];
	[tilespmem:v40+s28+$0x0] =	vst.idx.msk $0xffff, v39  }
0x6d: {  	[tilespmem:v46+s28+$0x0] =	vst.idx.msk $0xffff, v42;
	v39 =	vld [tilespmem:s19+$0xF0];
	v46 =	vadd.s32 v32, v41  }
0x6e: {  	v56 =	vadd.s32 v11, v53;
	v55 =	vld [tilespmem:s19+$0xFFFFFFA0];
	[tilespmem:v44+s28+$0x0] =	vst.idx.msk $0xffff, v43  }
0x6f: {  	v58 =	vadd.s32 v15, v35;
	v57 =	vld [tilespmem:s19+$0xFFFFFFE0];
	[tilespmem:v45+s28+$0x0] =	vst.idx.msk $0xffff, v38  }
0x70: {  	v60 =	vadd.s32 v19, v34;
	[tilespmem:v51+s28+$0x0] =	vst.idx.msk $0xffff, v50;
	v59 =	vld [tilespmem:s19+$0x20]  }
.Ltmp0:
0x71: {  	s15 =	sadd.s32 $0x1, s20;
	v41 =	vadd.s32 v23, v37;
	v38 =	vmov s20;
	[tilespmem:v49+s28+$0x0] =	vst.idx.msk $0xffff, v48;
	v40 =	vld [tilespmem:s19+$0x60];
	(pc) =	sbr.rel @p0 .LBB2_3-.Ltmp0, $4  }
0x72: {  	s21 =	sadd.s32 $0x3, s20;
	v52 =	vmov s15;
	s15 =	sadd.s32 $0x2, s20;
	v43 =	vadd.s32 v27, v36;
	v50 =	vshrl.u32 v38, $0x3;
	v42 =	vld [tilespmem:s19+$0xA0];
	[tilespmem:v46+s28+$0x0] =	vst.idx.msk $0xffff, v39  }
0x73: {  	v54 =	vmov s15;
	s15 =	sadd.s32 $0x4, s20;
	v44 =	vmov s21;
	s21 =	sadd.s32 $0x5, s20;
	v48 =	vadd.s32 v3, v33;
	v45 =	vld [tilespmem:s19+$0xFFFFFF20];
	[tilespmem:v56+s28+$0x0] =	vst.idx.msk $0xffff, v55  }
0x74: {  	v38 =	vmov s21;
	v51 =	vadd.s32 v8, v47;
	v46 =	vmov s15;
	s15 =	sadd.s32 $0x6, s20;
	v49 =	vld [tilespmem:s19+$0xFFFFFF70];
	[tilespmem:v58+s28+$0x0] =	vst.idx.msk $0xffff, v57  }
0x75: {  	v53 =	vadd.s32 v12, v53;
	s21 =	sadd.s32 $0x7, s20;
	v47 =	vshll.u32 v50, v1;
	s20 =	sadd.s32 $0x8, s20;
	v39 =	vmov s15;
	v50 =	vld [tilespmem:s19+$0xFFFFFFB0];
	[tilespmem:v60+s28+$0x0] =	vst.idx.msk $0xffff, v59  }
0x76: {  	_ =	sdelay $0x2  }
0x77: {  	v52 =	vshrl.u32 v52, $0x3  }
0x78: {  	v55 =	vmov s21;
	v56 =	vld [tilespmem:s19+$0xFFFFFFF0];
	v35 =	vadd.s32 v16, v35;
	[tilespmem:v41+s28+$0x0] =	vst.idx.msk $0xffff, v40;
	v57 =	vshrl.u32 v54, $0x3  }
0x79: {  	v59 =	vld [tilespmem:s19+$0x30];
	v34 =	vadd.s32 v20, v34;
	v60 =	vshrl.u32 v44, $0x3;
	v58 =	vshrl.u32 v55, $0x3;
	[tilespmem:v43+s28+$0x0] =	vst.idx.msk $0xffff, v42  }
0x7a: {  	v37 =	vadd.s32 v24, v37;
	v62 =	vshrl.u32 v46, $0x3;
	v61 =	vld [tilespmem:s19+$0x70];
	v41 =	vshll.u32 v58, v1;
	[tilespmem:v48+s28+$0x0] =	vst.idx.msk $0xffff, v45  }
0x7b: {  	v36 =	vadd.s32 v28, v36;
	v46 =	vbroadcast v47, $0x0;
	v63 =	vld [tilespmem:s19+$0xB0];
	v41 =	vbroadcast v41, $0x0;
	[tilespmem:v51+s28+$0x0] =	vst.idx.msk $0xffff, v49  }
0x7c: {  	v33 =	vadd.s32 v4, v33;
	s21 =	sadd.s32 $0x200, s19;
	v38 =	vshrl.u32 v38, $0x3;
	v55 =	vshll.u32 v52, v1;
	v48 =	vld [tilespmem:s19+$0xFFFFFF30];
	[tilespmem:v53+s28+$0x0] =	vst.idx.msk $0xffff, v50  }
0x7d: {  	v40 =	vshll.u32 v57, v1;
	v47 =	vbroadcast v55, $0x0;
	v49 =	vld [tilespmem:s21+$0xC0];
	v50 =	vadd.s32 v29, v41;
	[tilespmem:v35+s28+$0x0] =	vst.idx.msk $0xffff, v56  }
0x7e: {  	v42 =	vshll.u32 v60, v1;
	v40 =	vbroadcast v40, $0x0;
	v35 =	vld [tilespmem:s21+$0xFFFFFF00];
	v56 =	vadd.s32 v0, v46;
	[tilespmem:v34+s28+$0x0] =	vst.idx.msk $0xffff, v59  }
0x7f: {  	v57 =	vld [tilespmem:s21+$0xFFFFFF40];
	v44 =	vshll.u32 v62, v1;
	v42 =	vbroadcast v42, $0x0;
	v58 =	vadd.s32 v5, v47;
	[tilespmem:v37+s28+$0x0] =	vst.idx.msk $0xffff, v61  }
0x80: {  	v38 =	vshll.u32 v38, v1;
	v44 =	vbroadcast v44, $0x0;
	v60 =	vadd.s32 v9, v40;
	v59 =	vld [tilespmem:s21+$0xFFFFFF80];
	[tilespmem:v36+s28+$0x0] =	vst.idx.msk $0xffff, v63  }
0x81: {  	v38 =	vbroadcast v38, $0x0;
	v62 =	vadd.s32 v13, v42;
	v61 =	vld [tilespmem:s21+$0xFFFFFFC0];
	[tilespmem:v33+s28+$0x0] =	vst.idx.msk $0xffff, v48  }
0x82: {  	v39 =	vshrl.u32 v39, $0x3;
	v63 =	vadd.s32 v17, v44;
	v33 =	vld [tilespmem:s21+$0x0];
	[tilespmem:v50+s28+$0x0] =	vst.idx.msk $0xffff, v49  }
0x83: {  	v39 =	vshll.u32 v39, v1;
	v34 =	vld [tilespmem:s21+$0x40];
	[tilespmem:v56+s28+$0x0] =	vst.idx.msk $0xffff, v35;
	v56 =	vadd.s32 v21, v38  }
0x84: {  	[tilespmem:v58+s28+$0x0] =	vst.idx.msk $0xffff, v57;
	v35 =	vbroadcast v39, $0x0;
	v49 =	vadd.s32 v30, v41;
	v39 =	vld [tilespmem:s21+$0xD0]  }
0x85: {  	[tilespmem:v60+s28+$0x0] =	vst.idx.msk $0xffff, v59;
	v59 =	vld [tilespmem:s21+$0xFFFFFF50];
	v60 =	vadd.s32 v6, v47  }
0x86: {  	v57 =	vld [tilespmem:s21+$0x80];
	[tilespmem:v62+s28+$0x0] =	vst.idx.msk $0xffff, v61;
	v58 =	vadd.s32 v25, v35  }
0x87: {  	v61 =	vld [tilespmem:s21+$0xFFFFFF90];
	v62 =	vadd.s32 v10, v40;
	[tilespmem:v63+s28+$0x0] =	vst.idx.msk $0xffff, v33  }
0x88: {  	v33 =	vld [tilespmem:s21+$0xFFFFFFD0];
	v63 =	vadd.s32 v14, v42;
	[tilespmem:v56+s28+$0x0] =	vst.idx.msk $0xffff, v34  }
0x89: {  	v56 =	vadd.s32 v18, v44;
	[tilespmem:v49+s28+$0x0] =	vst.idx.msk $0xffff, v39;
	v49 =	vld [tilespmem:s21+$0x10]  }
0x8a: {  	[tilespmem:v60+s28+$0x0] =	vst.idx.msk $0xffff, v59;
	v39 =	vadd.s32 v31, v41;
	v34 =	vld [tilespmem:s21+$0xE0]  }
0x8b: {  	[tilespmem:v58+s28+$0x0] =	vst.idx.msk $0xffff, v57;
	v57 =	vld [tilespmem:s21+$0x50];
	v58 =	vadd.s32 v22, v38  }
0x8c: {  	[tilespmem:v62+s28+$0x0] =	vst.idx.msk $0xffff, v61;
	v61 =	vld [tilespmem:s21+$0xFFFFFF10];
	v62 =	vadd.s32 v2, v46  }
0x8d: {  	v60 =	vadd.s32 v26, v35;
	v59 =	vld [tilespmem:s21+$0x90];
	[tilespmem:v63+s28+$0x0] =	vst.idx.msk $0xffff, v33  }
0x8e: {  	v55 =	vadd.s32 v11, v40;
	v54 =	vadd.s32 v32, v41;
	v41 =	vld [tilespmem:s21+$0xFFFFFFA0];
	[tilespmem:v56+s28+$0x0] =	vst.idx.msk $0xffff, v49  }
0x8f: {  	v53 =	vadd.s32 v7, v47;
	v63 =	vld [tilespmem:s21+$0xFFFFFF60];
	[tilespmem:v39+s28+$0x0] =	vst.idx.msk $0xffff, v34  }
0x90: {  	v56 =	vld [tilespmem:s21+$0xFFFFFFE0];
	[tilespmem:v58+s28+$0x0] =	vst.idx.msk $0xffff, v57;
	v57 =	vadd.s32 v15, v42  }
0x91: {  	[tilespmem:v62+s28+$0x0] =	vst.idx.msk $0xffff, v61;
	v34 =	vld [tilespmem:s21+$0xF0]  }
0x92: {  	v58 =	vld [tilespmem:s21+$0x20];
	[tilespmem:v60+s28+$0x0] =	vst.idx.msk $0xffff, v59;
	v59 =	vadd.s32 v19, v44  }
0x93: {  	v61 =	vadd.s32 v23, v38;
	[tilespmem:v55+s28+$0x0] =	vst.idx.msk $0xffff, v41;
	v60 =	vld [tilespmem:s21+$0x60]  }
0x94: {  	[tilespmem:v53+s28+$0x0] =	vst.idx.msk $0xffff, v63;
	v63 =	vadd.s32 v27, v35;
	v62 =	vld [tilespmem:s21+$0xA0]  }
0x95: {  	v47 =	vadd.s32 v8, v47;
	v55 =	vld [tilespmem:s21+$0xFFFFFF70];
	[tilespmem:v57+s28+$0x0] =	vst.idx.msk $0xffff, v56  }
0x96: {  	v53 =	vld [tilespmem:s21+$0xFFFFFF20];
	[tilespmem:v54+s28+$0x0] =	vst.idx.msk $0xffff, v34;
	v54 =	vadd.s32 v3, v46  }
0x97: {  	v40 =	vadd.s32 v12, v40;
	v56 =	vld [tilespmem:s21+$0xFFFFFFB0];
	[tilespmem:v59+s28+$0x0] =	vst.idx.msk $0xffff, v58  }
0x98: {  	v42 =	vadd.s32 v16, v42;
	v57 =	vld [tilespmem:s21+$0xFFFFFFF0];
	[tilespmem:v61+s28+$0x0] =	vst.idx.msk $0xffff, v60  }
0x99: {  	v59 =	vadd.s32 v20, v44;
	v58 =	vld [tilespmem:s21+$0x30];
	[tilespmem:v63+s28+$0x0] =	vst.idx.msk $0xffff, v62  }
0x9a: {  	v38 =	vadd.s32 v24, v38;
	v60 =	vld [tilespmem:s21+$0x70];
	[tilespmem:v47+s28+$0x0] =	vst.idx.msk $0xffff, v55  }
0x9b: {  	v35 =	vadd.s32 v28, v35;
	v61 =	vld [tilespmem:s21+$0xB0];
	[tilespmem:v54+s28+$0x0] =	vst.idx.msk $0xffff, v53  }
0x9c: {  	s15 =	sadd.s32 s7, s18;
	v63 =	vadd.s32 v4, v46;
	[tilespmem:v40+s28+$0x0] =	vst.idx.msk $0xffff, v56;
	v62 =	vld [tilespmem:s21+$0xFFFFFF30]  }
0x9d: {  	s15 =	sshll.u32 s15, $0x12;
	[tilespmem:v42+s28+$0x0] =	vst.idx.msk $0xffff, v57  }
0x9e: {  	s15 =	sor.u32 s3, s15;
	[tilespmem:v59+s28+$0x0] =	vst.idx.msk $0xffff, v58  }
0x9f: {  	s15 =	sshrl.u32 s15, $0x3;
	[tilespmem:v38+s28+$0x0] =	vst.idx.msk $0xffff, v60  }
0xa0: {  	s20 =	simm.s32 $0x200;
	s18 =	sadd.s32 s5, s15;
	[tilespmem:v35+s28+$0x0] =	vst.idx.msk $0xffff, v61  }
0xa1: {  	s19 =	simm.s32 $0x16400;
	s15 =	sadd.s32 $0x0, s18;
	s21 =	simm.s32 $0x16608;
	[tilespmem:v63+s28+$0x0] =	vst.idx.msk $0xffff, v62  }
.LBB2_5:
0xa2: {  	[hbm4b:s15+s2] =	stream.linear.scatter [tilespmem:s19], [sflag:$0x3], $0x200, $0x38;
	[tilespmem:$0x1E600] =	vst v63  }
0xa3: {  	s15 =	smov.u32 s20;
	s19 =	smov.u32 s21;
	p0 =	sne.s32 s20, $0x7E00  }
.Ltmp1:
0xa4: {  	s20 =	sadd.s32 $0x200, s20;
	(pc) =	sbr.rel @p0 .LBB2_5-.Ltmp1, $2  }
0xa5: {  	_ =	sdelay $0x2  }
0xa6: {  	s21 =	sadd.s32 $0x208, s21;
	s15 =	sadd.s32 s15, s18  }
0xa7: {  	[hbm4b:s15+s2] =	stream.linear.scatter [tilespmem:s19], [sflag:$0x3], $0x200, $0x38;
	[tilespmem:$0x1E600] =	vst v63  }
0xa8: {  	_ =	swait.ge [sflag:s14], $0x8000  }
0xa9: {  	[sflag:s14] =	ssyncset.done $0x0  }
0xaa: {  	[sflag:s14] =	ssyncadd.s32 $0xFFFF8000  }
0xab: {  	_ =	swait.ge [sflag:s29], $0x2000  }
0xac: {  	[sflag:s29] =	ssyncset.done $0x0  }
0xad: {  	[sflag:s29] =	ssyncadd.s32 $0xFFFFE000  }
0xae: {  	_ =	swait.ge [sflag:s29], $0x2000  }
0xaf: {  	[sflag:s29] =	ssyncset.done $0x0  }
0xb0: {  	[sflag:s29] =	ssyncadd.s32 $0xFFFFE000  }
0xb1: {  	_ =	swait.ge [sflag:s29], $0x2000  }
0xb2: {  	[sflag:s29] =	ssyncset.done $0x0  }
0xb3: {  	p0 =	seq.s32 s31, $0x18;
	s21 =	simm.s32 $0x0;
	[sflag:s29] =	ssyncadd.s32 $0xFFFFE000  }
0xb4: {  	s20 =	simm.s32 $0x3;
	s15 =	sadd.s32 @!p0 $0x100, s1;
	_ =	swait.ge [sflag:s29], $0x2000  }
0xb5: {  	s18 =	simm.s32 @!p0 $0x80;
	s19 =	simm.s32 @!p0 $0x6400;
	[sflag:s29] =	ssyncset.done $0x0  }
0xb6: {  	v33 =	vmov s21;
	s21 =	simm.s32 $0x2;
	v36 =	vmov s20;
	s20 =	simm.s32 $0x4;
	[sflag:s29] =	ssyncadd.s32 $0xFFFFE000  }
0xb7: {  	[tilespmem:s19], [sflag:$0x1] =	stream.indirect.gather @!p0 [hbm4b:s4+s18], $0x40, s15, s18, $0xb8;
	[tilespmem:$0x1E600] =	vst v63  }
0xb8: {  	v35 =	vmov s21;
	s21 =	simm.s32 $0x7;
	s15 =	sadd.s32 @!p0 $0x1A00, s1;
	s19 =	simm.s32 @!p0 $0x8400  }
0xb9: {  	v33 =	vshrl.u32 v33, $0x3;
	[tilespmem:s19], [sflag:$0x1] =	stream.indirect.gather @!p0 [hbm4b:s4+s18], $0x40, s15, s18, $0xb8;
	[tilespmem:$0x1E600] =	vst v63  }
0xba: {  	v37 =	vmov s20;
	s20 =	simm.s32 $0x5;
	v36 =	vshrl.u32 v36, $0x3;
	v38 =	vmov s21;
	s15 =	sadd.s32 @!p0 $0x3300, s1;
	s19 =	simm.s32 @!p0 $0xA400  }
0xbb: {  	v39 =	vmov s20;
	v33 =	vshll.u32 v33, v1;
	v35 =	vshrl.u32 v35, $0x3;
	[tilespmem:s19], [sflag:$0x1] =	stream.indirect.gather @!p0 [hbm4b:s4+s18], $0x40, s15, s18, $0xb8;
	[tilespmem:$0x1E600] =	vst v63  }
0xbc: {  	s21 =	simm.s32 $0x6;
	v37 =	vshrl.u32 v37, $0x3;
	v53 =	vshll.u32 v36, v1;
	v38 =	vshrl.u32 v38, $0x3;
	s19 =	simm.s32 $0x1  }
0xbd: {  	v40 =	vmov s21;
	v38 =	vshll.u32 v38, v1;
	s1 =	sadd.s32 @!p0 $0x4C00, s1;
	v34 =	vmov s19;
	s19 =	simm.s32 @!p0 $0xC400  }
0xbe: {  	v33 =	vbroadcast v33, $0x0;
	v52 =	vshll.u32 v35, v1;
	v38 =	vbroadcast v38, $0x0;
	[tilespmem:s19], [sflag:$0x1] =	stream.indirect.gather @!p0 [hbm4b:s4+s18], $0x40, s1, s18, $0xb8;
	[tilespmem:$0x1E600] =	vst v63  }
0xbf: {  	v35 =	vbroadcast v53, $0x0;
	v54 =	vshll.u32 v37, v1;
	v55 =	vshrl.u32 v39, $0x3;
	s1 =	simm.s32 $0xE500  }
0xc0: {  	v52 =	vbroadcast v52, $0x0;
	v36 =	vshll.u32 v55, v1;
	v42 =	vadd.s32 v29, v38;
	v41 =	vld [tilespmem:s1+$0xC0]  }
0xc1: {  	v40 =	vshrl.u32 v40, $0x3;
	v44 =	vadd.s32 v0, v33;
	v34 =	vshrl.u32 v34, $0x3;
	v43 =	vld [tilespmem:s1+$0xFFFFFF00]  }
0xc2: {  	v37 =	vbroadcast v36, $0x0;
	v49 =	vadd.s32 v9, v52;
	v34 =	vshll.u32 v34, v1;
	v48 =	vld [tilespmem:s1+$0xFFFFFF80]  }
0xc3: {  	v50 =	vadd.s32 v13, v35;
	v56 =	vshll.u32 v40, v1;
	v39 =	vld [tilespmem:s1+$0xFFFFFFC0];
	v45 =	vbroadcast v34, $0x0  }
0xc4: {  	v36 =	vbroadcast v56, $0x0;
	v60 =	vadd.s32 v21, v37;
	v59 =	vld [tilespmem:s1+$0x40]  }
0xc5: {  	v46 =	vld [tilespmem:s1+$0xFFFFFF40];
	v34 =	vbroadcast v54, $0x0;
	v47 =	vadd.s32 v5, v45;
	[tilespmem:v42+s28+$0x0] =	vst.idx.msk $0xffff, v41  }
0xc6: {  	v62 =	vadd.s32 v25, v36;
	v61 =	vld [tilespmem:s1+$0x80];
	[tilespmem:v44+s28+$0x0] =	vst.idx.msk $0xffff, v43  }
0xc7: {  	v51 =	vld [tilespmem:s1+$0x0];
	v53 =	vadd.s32 v17, v34;
	[tilespmem:v49+s28+$0x0] =	vst.idx.msk $0xffff, v48  }
0xc8: {  	v58 =	vadd.s32 v30, v38;
	[tilespmem:v50+s28+$0x0] =	vst.idx.msk $0xffff, v39;
	v57 =	vld [tilespmem:s1+$0xD0]  }
0xc9: {  	v55 =	vadd.s32 v10, v52;
	[tilespmem:v60+s28+$0x0] =	vst.idx.msk $0xffff, v59;
	v54 =	vld [tilespmem:s1+$0xFFFFFF90]  }
0xca: {  	v56 =	vadd.s32 v14, v35;
	v50 =	vld [tilespmem:s1+$0xFFFFFFD0];
	[tilespmem:v47+s28+$0x0] =	vst.idx.msk $0xffff, v46  }
0xcb: {  	v63 =	vadd.s32 v6, v45;
	[tilespmem:v62+s28+$0x0] =	vst.idx.msk $0xffff, v61;
	v47 =	vld [tilespmem:s1+$0xFFFFFF50]  }
0xcc: {  	v62 =	vadd.s32 v2, v33;
	v61 =	vld [tilespmem:s1+$0xFFFFFF10];
	[tilespmem:v53+s28+$0x0] =	vst.idx.msk $0xffff, v51  }
0xcd: {  	v59 =	vadd.s32 v18, v34;
	[tilespmem:v58+s28+$0x0] =	vst.idx.msk $0xffff, v57;
	v58 =	vld [tilespmem:s1+$0x10]  }
0xce: {  	v57 =	vadd.s32 v31, v38;
	[tilespmem:v55+s28+$0x0] =	vst.idx.msk $0xffff, v54;
	v40 =	vld [tilespmem:s1+$0xE0]  }
0xcf: {  	v44 =	vld [tilespmem:s1+$0x50];
	v46 =	vadd.s32 v22, v37;
	[tilespmem:v56+s28+$0x0] =	vst.idx.msk $0xffff, v50  }
0xd0: {  	v60 =	vadd.s32 v26, v36;
	[tilespmem:v63+s28+$0x0] =	vst.idx.msk $0xffff, v47;
	v63 =	vld [tilespmem:s1+$0x90]  }
0xd1: {  	v56 =	vadd.s32 v11, v52;
	[tilespmem:v62+s28+$0x0] =	vst.idx.msk $0xffff, v61;
	v55 =	vld [tilespmem:s1+$0xFFFFFFA0]  }
0xd2: {  	v51 =	vadd.s32 v7, v45;
	v50 =	vld [tilespmem:s1+$0xFFFFFF60];
	[tilespmem:v59+s28+$0x0] =	vst.idx.msk $0xffff, v58  }
0xd3: {  	v58 =	vadd.s32 v15, v35;
	[tilespmem:v57+s28+$0x0] =	vst.idx.msk $0xffff, v40;
	v57 =	vld [tilespmem:s1+$0xFFFFFFE0]  }
0xd4: {  	v38 =	vadd.s32 v32, v38;
	[tilespmem:v46+s28+$0x0] =	vst.idx.msk $0xffff, v44;
	v54 =	vld [tilespmem:s1+$0xF0]  }
0xd5: {  	v59 =	vld [tilespmem:s1+$0x20];
	[tilespmem:v60+s28+$0x0] =	vst.idx.msk $0xffff, v63;
	v60 =	vadd.s32 v19, v34  }
0xd6: {  	s21 =	simm.s32 $0xB;
	s19 =	simm.s32 $0x9;
	v41 =	vadd.s32 v23, v37;
	v43 =	vadd.s32 v27, v36;
	v40 =	vld [tilespmem:s1+$0x60];
	[tilespmem:v56+s28+$0x0] =	vst.idx.msk $0xffff, v55  }
0xd7: {  	s18 =	simm.s32 $0x8;
	v48 =	vadd.s32 v3, v33;
	v53 =	vmov s19;
	s19 =	simm.s32 $0xC;
	v44 =	vmov s21;
	[tilespmem:v51+s28+$0x0] =	vst.idx.msk $0xffff, v50;
	v42 =	vld [tilespmem:s1+$0xA0]  }
0xd8: {  	s20 =	simm.s32 $0xA;
	v52 =	vadd.s32 v12, v52;
	v46 =	vld [tilespmem:s1+$0xFFFFFF20];
	v47 =	vmov s19;
	v63 =	vmov s18;
	[tilespmem:v58+s28+$0x0] =	vst.idx.msk $0xffff, v57  }
0xd9: {  	s21 =	simm.s32 $0xE;
	v39 =	vshrl.u32 v63, $0x3;
	v51 =	vadd.s32 v8, v45;
	v49 =	vld [tilespmem:s1+$0xFFFFFF70];
	[tilespmem:v38+s28+$0x0] =	vst.idx.msk $0xffff, v54;
	v54 =	vmov s20;
	s20 =	simm.s32 $0xD  }
0xda: {  	s19 =	simm.s32 $0xF;
	s18 =	simm.s32 $0x10;
	v50 =	vld [tilespmem:s1+$0xFFFFFFB0];
	v45 =	vshll.u32 v39, v1;
	v39 =	vmov s21;
	v38 =	vmov s20;
	[tilespmem:v60+s28+$0x0] =	vst.idx.msk $0xffff, v59  }
.LBB2_7:
0xdb: {  	p0 =	slt.u32 s18, $0x1F8;
	v53 =	vshrl.u32 v53, $0x3;
	v55 =	vmov s19;
	v56 =	vld [tilespmem:s1+$0xFFFFFFF0];
	v35 =	vadd.s32 v16, v35;
	[tilespmem:v41+s28+$0x0] =	vst.idx.msk $0xffff, v40  }
0xdc: {  	v40 =	vshrl.u32 v54, $0x3;
	v34 =	vadd.s32 v20, v34;
	v41 =	vshrl.u32 v55, $0x3;
	v54 =	vld [tilespmem:s1+$0x30];
	[tilespmem:v43+s28+$0x0] =	vst.idx.msk $0xffff, v42  }
0xdd: {  	v37 =	vadd.s32 v24, v37;
	v42 =	vshrl.u32 v44, $0x3;
	v41 =	vshll.u32 v41, v1;
	[tilespmem:v48+s28+$0x0] =	vst.idx.msk $0xffff, v46;
	v43 =	vld [tilespmem:s1+$0x70]  }
0xde: {  	v36 =	vadd.s32 v28, v36;
	v44 =	vshrl.u32 v47, $0x3;
	v41 =	vbroadcast v41, $0x0;
	[tilespmem:v51+s28+$0x0] =	vst.idx.msk $0xffff, v49;
	v46 =	vld [tilespmem:s1+$0xB0]  }
0xdf: {  	v47 =	vshll.u32 v53, v1;
	v49 =	vadd.s32 v4, v33;
	v33 =	vbroadcast v45, $0x0;
	v48 =	vld [tilespmem:s1+$0xFFFFFF30];
	[tilespmem:v52+s28+$0x0] =	vst.idx.msk $0xffff, v50;
	s1 =	sadd.s32 $0x200, s1  }
0xe0: {  	v40 =	vshll.u32 v40, v1;
	v45 =	vbroadcast v47, $0x0;
	v47 =	vld [tilespmem:s1+$0xC0];
	v50 =	vadd.s32 v29, v41;
	[tilespmem:v35+s28+$0x0] =	vst.idx.msk $0xffff, v56  }
0xe1: {  	v55 =	vbroadcast v40, $0x0;
	v52 =	vadd.s32 v0, v33;
	v35 =	vshll.u32 v42, v1;
	v51 =	vld [tilespmem:s1+$0xFFFFFF00];
	[tilespmem:v34+s28+$0x0] =	vst.idx.msk $0xffff, v54  }
0xe2: {  	v42 =	vadd.s32 v5, v45;
	v35 =	vbroadcast v35, $0x0;
	v34 =	vshll.u32 v44, v1;
	v40 =	vld [tilespmem:s1+$0xFFFFFF40];
	[tilespmem:v37+s28+$0x0] =	vst.idx.msk $0xffff, v43  }
0xe3: {  	v44 =	vadd.s32 v9, v55;
	v34 =	vbroadcast v34, $0x0;
	v37 =	vshrl.u32 v38, $0x3;
	v43 =	vld [tilespmem:s1+$0xFFFFFF80];
	[tilespmem:v36+s28+$0x0] =	vst.idx.msk $0xffff, v46  }
0xe4: {  	v39 =	vshrl.u32 v39, $0x3;
	v46 =	vadd.s32 v13, v35;
	v36 =	vshll.u32 v37, v1;
	v38 =	vld [tilespmem:s1+$0xFFFFFFC0];
	[tilespmem:v49+s28+$0x0] =	vst.idx.msk $0xffff, v48  }
0xe5: {  	v49 =	vadd.s32 v17, v34;
	v37 =	vbroadcast v36, $0x0;
	v36 =	vshll.u32 v39, v1;
	v48 =	vld [tilespmem:s1+$0x0];
	[tilespmem:v50+s28+$0x0] =	vst.idx.msk $0xffff, v47  }
0xe6: {  	v36 =	vbroadcast v36, $0x0;
	v47 =	vadd.s32 v30, v41;
	[tilespmem:v52+s28+$0x0] =	vst.idx.msk $0xffff, v51;
	v39 =	vld [tilespmem:s1+$0xD0]  }
0xe7: {  	[tilespmem:v42+s28+$0x0] =	vst.idx.msk $0xffff, v40;
	v40 =	vld [tilespmem:s1+$0x40];
	v42 =	vadd.s32 v21, v37  }
0xe8: {  	[tilespmem:v44+s28+$0x0] =	vst.idx.msk $0xffff, v43;
	v43 =	vld [tilespmem:s1+$0x80];
	v44 =	vadd.s32 v25, v36  }
0xe9: {  	v51 =	vadd.s32 v6, v45;
	v50 =	vld [tilespmem:s1+$0xFFFFFF50];
	[tilespmem:v46+s28+$0x0] =	vst.idx.msk $0xffff, v38  }
0xea: {  	v46 =	vadd.s32 v10, v55;
	v38 =	vld [tilespmem:s1+$0xFFFFFF90];
	[tilespmem:v49+s28+$0x0] =	vst.idx.msk $0xffff, v48  }
0xeb: {  	v49 =	vadd.s32 v14, v35;
	v48 =	vld [tilespmem:s1+$0xFFFFFFD0];
	[tilespmem:v47+s28+$0x0] =	vst.idx.msk $0xffff, v39  }
0xec: {  	[tilespmem:v42+s28+$0x0] =	vst.idx.msk $0xffff, v40;
	v39 =	vld [tilespmem:s1+$0xE0];
	v40 =	vadd.s32 v31, v41  }
0xed: {  	v47 =	vadd.s32 v18, v34;
	v42 =	vld [tilespmem:s1+$0x10];
	[tilespmem:v44+s28+$0x0] =	vst.idx.msk $0xffff, v43  }
0xee: {  	v44 =	vadd.s32 v22, v37;
	[tilespmem:v51+s28+$0x0] =	vst.idx.msk $0xffff, v50;
	v43 =	vld [tilespmem:s1+$0x50]  }
0xef: {  	[tilespmem:v46+s28+$0x0] =	vst.idx.msk $0xffff, v38;
	v38 =	vld [tilespmem:s1+$0x90];
	v46 =	vadd.s32 v26, v36  }
0xf0: {  	v51 =	vadd.s32 v2, v33;
	v50 =	vld [tilespmem:s1+$0xFFFFFF10];
	[tilespmem:v49+s28+$0x0] =	vst.idx.msk $0xffff, v48  }
0xf1: {  	v49 =	vadd.s32 v7, v45;
	v48 =	vld [tilespmem:s1+$0xFFFFFF60];
	[tilespmem:v40+s28+$0x0] =	vst.idx.msk $0xffff, v39  }
0xf2: {  	[tilespmem:v47+s28+$0x0] =	vst.idx.msk $0xffff, v42;
	v39 =	vld [tilespmem:s1+$0xF0];
	v47 =	vadd.s32 v32, v41  }
0xf3: {  	v56 =	vadd.s32 v11, v55;
	v52 =	vld [tilespmem:s1+$0xFFFFFFA0];
	[tilespmem:v44+s28+$0x0] =	vst.idx.msk $0xffff, v43  }
0xf4: {  	v58 =	vadd.s32 v15, v35;
	v57 =	vld [tilespmem:s1+$0xFFFFFFE0];
	[tilespmem:v46+s28+$0x0] =	vst.idx.msk $0xffff, v38  }
0xf5: {  	v60 =	vadd.s32 v19, v34;
	[tilespmem:v51+s28+$0x0] =	vst.idx.msk $0xffff, v50;
	v59 =	vld [tilespmem:s1+$0x20]  }
.Ltmp2:
0xf6: {  	s15 =	sadd.s32 $0x1, s18;
	v41 =	vadd.s32 v23, v37;
	v38 =	vmov s18;
	[tilespmem:v49+s28+$0x0] =	vst.idx.msk $0xffff, v48;
	v40 =	vld [tilespmem:s1+$0x60];
	(pc) =	sbr.rel @p0 .LBB2_7-.Ltmp2, $4  }
0xf7: {  	s19 =	sadd.s32 $0x3, s18;
	v53 =	vmov s15;
	s15 =	sadd.s32 $0x2, s18;
	v43 =	vadd.s32 v27, v36;
	v50 =	vshrl.u32 v38, $0x3;
	v42 =	vld [tilespmem:s1+$0xA0];
	[tilespmem:v47+s28+$0x0] =	vst.idx.msk $0xffff, v39  }
0xf8: {  	v54 =	vmov s15;
	s15 =	sadd.s32 $0x4, s18;
	v44 =	vmov s19;
	s19 =	sadd.s32 $0x5, s18;
	v48 =	vadd.s32 v3, v33;
	v46 =	vld [tilespmem:s1+$0xFFFFFF20];
	[tilespmem:v56+s28+$0x0] =	vst.idx.msk $0xffff, v52  }
0xf9: {  	v38 =	vmov s19;
	v51 =	vadd.s32 v8, v45;
	v47 =	vmov s15;
	s15 =	sadd.s32 $0x6, s18;
	v49 =	vld [tilespmem:s1+$0xFFFFFF70];
	[tilespmem:v58+s28+$0x0] =	vst.idx.msk $0xffff, v57  }
0xfa: {  	s19 =	sadd.s32 $0x7, s18;
	v45 =	vshll.u32 v50, v1;
	s18 =	sadd.s32 $0x8, s18;
	v39 =	vmov s15;
	v52 =	vadd.s32 v12, v55;
	v50 =	vld [tilespmem:s1+$0xFFFFFFB0];
	[tilespmem:v60+s28+$0x0] =	vst.idx.msk $0xffff, v59  }
0xfb: {  	_ =	sdelay $0x2  }
0xfc: {  	v53 =	vshrl.u32 v53, $0x3  }
0xfd: {  	v55 =	vmov s19;
	v56 =	vld [tilespmem:s1+$0xFFFFFFF0];
	v35 =	vadd.s32 v16, v35;
	[tilespmem:v41+s28+$0x0] =	vst.idx.msk $0xffff, v40;
	v57 =	vshrl.u32 v54, $0x3  }
0xfe: {  	v59 =	vld [tilespmem:s1+$0x30];
	v34 =	vadd.s32 v20, v34;
	v60 =	vshrl.u32 v44, $0x3;
	v58 =	vshrl.u32 v55, $0x3;
	[tilespmem:v43+s28+$0x0] =	vst.idx.msk $0xffff, v42  }
0xff: {  	v37 =	vadd.s32 v24, v37;
	v62 =	vshrl.u32 v47, $0x3;
	v61 =	vld [tilespmem:s1+$0x70];
	v41 =	vshll.u32 v58, v1;
	[tilespmem:v48+s28+$0x0] =	vst.idx.msk $0xffff, v46  }
0x100: {  	v36 =	vadd.s32 v28, v36;
	v45 =	vbroadcast v45, $0x0;
	v63 =	vld [tilespmem:s1+$0xB0];
	v41 =	vbroadcast v41, $0x0;
	[tilespmem:v51+s28+$0x0] =	vst.idx.msk $0xffff, v49  }
0x101: {  	v33 =	vadd.s32 v4, v33;
	s21 =	sadd.s32 $0x200, s1;
	v38 =	vshrl.u32 v38, $0x3;
	v55 =	vshll.u32 v53, v1;
	v48 =	vld [tilespmem:s1+$0xFFFFFF30];
	[tilespmem:v52+s28+$0x0] =	vst.idx.msk $0xffff, v50  }
0x102: {  	v40 =	vshll.u32 v57, v1;
	v47 =	vbroadcast v55, $0x0;
	v49 =	vld [tilespmem:s21+$0xC0];
	v50 =	vadd.s32 v29, v41;
	[tilespmem:v35+s28+$0x0] =	vst.idx.msk $0xffff, v56  }
0x103: {  	v42 =	vshll.u32 v60, v1;
	v40 =	vbroadcast v40, $0x0;
	v35 =	vld [tilespmem:s21+$0xFFFFFF00];
	v56 =	vadd.s32 v0, v45;
	[tilespmem:v34+s28+$0x0] =	vst.idx.msk $0xffff, v59  }
0x104: {  	v57 =	vld [tilespmem:s21+$0xFFFFFF40];
	v44 =	vshll.u32 v62, v1;
	v42 =	vbroadcast v42, $0x0;
	v58 =	vadd.s32 v5, v47;
	[tilespmem:v37+s28+$0x0] =	vst.idx.msk $0xffff, v61  }
0x105: {  	v38 =	vshll.u32 v38, v1;
	v44 =	vbroadcast v44, $0x0;
	v60 =	vadd.s32 v9, v40;
	v59 =	vld [tilespmem:s21+$0xFFFFFF80];
	[tilespmem:v36+s28+$0x0] =	vst.idx.msk $0xffff, v63  }
0x106: {  	v38 =	vbroadcast v38, $0x0;
	v62 =	vadd.s32 v13, v42;
	v61 =	vld [tilespmem:s21+$0xFFFFFFC0];
	[tilespmem:v33+s28+$0x0] =	vst.idx.msk $0xffff, v48  }
0x107: {  	v39 =	vshrl.u32 v39, $0x3;
	v63 =	vadd.s32 v17, v44;
	v33 =	vld [tilespmem:s21+$0x0];
	[tilespmem:v50+s28+$0x0] =	vst.idx.msk $0xffff, v49  }
0x108: {  	v39 =	vshll.u32 v39, v1;
	v34 =	vld [tilespmem:s21+$0x40];
	[tilespmem:v56+s28+$0x0] =	vst.idx.msk $0xffff, v35;
	v56 =	vadd.s32 v21, v38  }
0x109: {  	[tilespmem:v58+s28+$0x0] =	vst.idx.msk $0xffff, v57;
	v35 =	vbroadcast v39, $0x0;
	v49 =	vadd.s32 v30, v41;
	v39 =	vld [tilespmem:s21+$0xD0]  }
0x10a: {  	[tilespmem:v60+s28+$0x0] =	vst.idx.msk $0xffff, v59;
	v59 =	vld [tilespmem:s21+$0xFFFFFF50];
	v60 =	vadd.s32 v6, v47  }
0x10b: {  	v57 =	vld [tilespmem:s21+$0x80];
	[tilespmem:v62+s28+$0x0] =	vst.idx.msk $0xffff, v61;
	v58 =	vadd.s32 v25, v35  }
0x10c: {  	v61 =	vld [tilespmem:s21+$0xFFFFFF90];
	v62 =	vadd.s32 v10, v40;
	[tilespmem:v63+s28+$0x0] =	vst.idx.msk $0xffff, v33  }
0x10d: {  	v33 =	vld [tilespmem:s21+$0xFFFFFFD0];
	v63 =	vadd.s32 v14, v42;
	[tilespmem:v56+s28+$0x0] =	vst.idx.msk $0xffff, v34  }
0x10e: {  	v56 =	vadd.s32 v18, v44;
	[tilespmem:v49+s28+$0x0] =	vst.idx.msk $0xffff, v39;
	v49 =	vld [tilespmem:s21+$0x10]  }
0x10f: {  	[tilespmem:v60+s28+$0x0] =	vst.idx.msk $0xffff, v59;
	v39 =	vadd.s32 v31, v41;
	v34 =	vld [tilespmem:s21+$0xE0]  }
0x110: {  	[tilespmem:v58+s28+$0x0] =	vst.idx.msk $0xffff, v57;
	v57 =	vld [tilespmem:s21+$0x50];
	v58 =	vadd.s32 v22, v38  }
0x111: {  	[tilespmem:v62+s28+$0x0] =	vst.idx.msk $0xffff, v61;
	v61 =	vld [tilespmem:s21+$0xFFFFFF10];
	v62 =	vadd.s32 v2, v45  }
0x112: {  	v60 =	vadd.s32 v26, v35;
	v59 =	vld [tilespmem:s21+$0x90];
	[tilespmem:v63+s28+$0x0] =	vst.idx.msk $0xffff, v33  }
0x113: {  	v55 =	vadd.s32 v11, v40;
	v54 =	vadd.s32 v32, v41;
	v41 =	vld [tilespmem:s21+$0xFFFFFFA0];
	[tilespmem:v56+s28+$0x0] =	vst.idx.msk $0xffff, v49  }
0x114: {  	v53 =	vadd.s32 v7, v47;
	v63 =	vld [tilespmem:s21+$0xFFFFFF60];
	[tilespmem:v39+s28+$0x0] =	vst.idx.msk $0xffff, v34  }
0x115: {  	v56 =	vld [tilespmem:s21+$0xFFFFFFE0];
	[tilespmem:v58+s28+$0x0] =	vst.idx.msk $0xffff, v57;
	v57 =	vadd.s32 v15, v42  }
0x116: {  	[tilespmem:v62+s28+$0x0] =	vst.idx.msk $0xffff, v61;
	v34 =	vld [tilespmem:s21+$0xF0]  }
0x117: {  	v58 =	vld [tilespmem:s21+$0x20];
	[tilespmem:v60+s28+$0x0] =	vst.idx.msk $0xffff, v59;
	v59 =	vadd.s32 v19, v44  }
0x118: {  	v61 =	vadd.s32 v23, v38;
	[tilespmem:v55+s28+$0x0] =	vst.idx.msk $0xffff, v41;
	v60 =	vld [tilespmem:s21+$0x60]  }
0x119: {  	[tilespmem:v53+s28+$0x0] =	vst.idx.msk $0xffff, v63;
	v63 =	vadd.s32 v27, v35;
	v62 =	vld [tilespmem:s21+$0xA0]  }
0x11a: {  	v47 =	vadd.s32 v8, v47;
	v55 =	vld [tilespmem:s21+$0xFFFFFF70];
	[tilespmem:v57+s28+$0x0] =	vst.idx.msk $0xffff, v56  }
0x11b: {  	v53 =	vld [tilespmem:s21+$0xFFFFFF20];
	[tilespmem:v54+s28+$0x0] =	vst.idx.msk $0xffff, v34;
	v54 =	vadd.s32 v3, v45  }
0x11c: {  	v40 =	vadd.s32 v12, v40;
	v56 =	vld [tilespmem:s21+$0xFFFFFFB0];
	[tilespmem:v59+s28+$0x0] =	vst.idx.msk $0xffff, v58  }
0x11d: {  	v42 =	vadd.s32 v16, v42;
	v57 =	vld [tilespmem:s21+$0xFFFFFFF0];
	[tilespmem:v61+s28+$0x0] =	vst.idx.msk $0xffff, v60  }
0x11e: {  	v59 =	vadd.s32 v20, v44;
	v58 =	vld [tilespmem:s21+$0x30];
	[tilespmem:v63+s28+$0x0] =	vst.idx.msk $0xffff, v62  }
0x11f: {  	v38 =	vadd.s32 v24, v38;
	v60 =	vld [tilespmem:s21+$0x70];
	[tilespmem:v47+s28+$0x0] =	vst.idx.msk $0xffff, v55  }
0x120: {  	v35 =	vadd.s32 v28, v35;
	v61 =	vld [tilespmem:s21+$0xB0];
	[tilespmem:v54+s28+$0x0] =	vst.idx.msk $0xffff, v53  }
0x121: {  	s0 =	sadd.s32 s7, s0;
	v63 =	vadd.s32 v4, v45;
	[tilespmem:v40+s28+$0x0] =	vst.idx.msk $0xffff, v56;
	v62 =	vld [tilespmem:s21+$0xFFFFFF30]  }
0x122: {  	s0 =	sshll.u32 s0, $0x12;
	[tilespmem:v42+s28+$0x0] =	vst.idx.msk $0xffff, v57  }
0x123: {  	s0 =	sor.u32 s3, s0;
	[tilespmem:v59+s28+$0x0] =	vst.idx.msk $0xffff, v58  }
0x124: {  	s0 =	sshrl.u32 s0, $0x3;
	[tilespmem:v38+s28+$0x0] =	vst.idx.msk $0xffff, v60  }
0x125: {  	s18 =	simm.s32 $0x200;
	s0 =	sadd.s32 s5, s0;
	[tilespmem:v35+s28+$0x0] =	vst.idx.msk $0xffff, v61  }
0x126: {  	s19 =	simm.s32 $0x16608;
	s1 =	simm.s32 $0x16400;
	s15 =	sadd.s32 $0x0, s0;
	[tilespmem:v63+s28+$0x0] =	vst.idx.msk $0xffff, v62  }
.LBB2_9:
0x127: {  	[hbm4b:s15+s2] =	stream.linear.scatter [tilespmem:s1], [sflag:$0x3], $0x200, $0x38;
	[tilespmem:$0x1E600] =	vst v63  }
0x128: {  	s15 =	smov.u32 s18;
	s1 =	smov.u32 s19;
	p0 =	sne.s32 s18, $0x7E00  }
.Ltmp3:
0x129: {  	s18 =	sadd.s32 $0x200, s18;
	(pc) =	sbr.rel @p0 .LBB2_9-.Ltmp3, $2  }
0x12a: {  	_ =	sdelay $0x2  }
0x12b: {  	s19 =	sadd.s32 $0x208, s19;
	s15 =	sadd.s32 s15, s0  }
0x12c: {  	s31 =	sadd.s32 $0x1, s31  }
0x12d: {  	p0 =	sne.s32 s31, $0x19  }
.Ltmp4:
0x12e: {  	_ = 	snop;
	(pc) =	sbr.rel @p0 .LBB2_2-.Ltmp4, $4  }
0x12f: {  	[hbm4b:s15+s2] =	stream.linear.scatter [tilespmem:s1], [sflag:$0x3], $0x200, $0x38;
	[tilespmem:$0x1E600] =	vst v63  }
0x130: {  	_ =	swait.ge [sflag:s14], $0x8000  }
0x131: {  	[sflag:s14] =	ssyncset.done $0x0  }
0x132: {  	[sflag:s14] =	ssyncadd.s32 $0xFFFF8000  }
0x133: {  	s30 =	sadd.s32 $0x1, s30  }
0x134: {  	p0 =	sne.s32 s30, s11  }
.Ltmp5:
0x135: {  	_ = 	snop;
	(pc) =	sbr.rel @p0 .LBB2_1-.Ltmp5, $1  }
0x136: {  	_ =	sdelay $0x3  }
0x137: {  	_ =	sfence.sel $0x180000  }
0x138: {  	[bflag:$0x0] =	sbarrier.arrive $0xFFFF  }
0x139: {  	_ =	strace $0x90000047  }
0x13a: {  	s0 =	stileid.u32;
	[bflag:$0x2] =	sbarrier.arrive $0xFFFF  }
0x13b: {  	p0 =	sne.s32 s0, $0x0;
	s0 =	rddreg [dreg:$0x2]  }
0x13c: {  	s0 =	sadd.s32 @!p0 $0x100000, s0  }
0x13d: {  	[sflag:s0] =	ssyncadd.tile.s32 @!p0 $0x1;
	_ =	shalt  }
.Lfunc_end2:
_tile_overlayer_lowered:
.L_overlay_start_2:
0x13e: {  	(tag) =	ssettag $0x2  }
0x13f: {  	s0 =	rddreg [dreg:$0x0];
	s2 =	stileid.u32  }
0x140: {  	s1 =	rddreg [dreg:$0x1];
	p0 =	sne.s32 s2, $0x0  }
0x141: {  	s3 =	rddreg [dreg:$0x2];
	[bflag:$0x3] =	sbarrier.arrive $0xFFFF;
	s2 =	simm.s32 @!p0 $0x1C03  }
0x142: {  	[timem:s3], [sflag:s2] =	dma.local @!p0 [hbm:s0], s1  }
0x143: {  	s0 =	simm.s32 @!p0 $0x3  }
0x144: {  	_ =	swait.ge @!p0 [sflag:s0], s1  }
0x145: {  	s1 =	ssub.s32 @!p0 $0x0, s1;
	[sflag:s0] =	ssyncset.done @!p0 $0x0  }
0x146: {  	[sflag:s0] =	ssyncadd.s32 @!p0 s1  }
0x147: {  	[bflag:$0x3] =	sbarrier.arrive $0xFFFF  }
0x148: {  	_ =	shalt  }

</sc_bundles>
